<compile_context>
chip_gen: v7x
topology: tpu7x:2x2x1
jax: 0.10.2.dev20260603
libtpu: 0.0.44.dev20260713+nightly
codegen_flags: <defaults>
</compile_context>

<pallas_src>
import functools

import jax
import jax.numpy as jnp
from jax import lax
from jax.experimental import pallas as pl
from jax.experimental.pallas import tpu as pltpu
from jax.experimental.pallas import tpu_sc as plsc

NGENE = 4762
NCELL = 847
DIM = 256
NE_ENC = 150000
NE_DEC = 200000

NTILE = 32
ECHUNK = 400
NCHUNK = NE_ENC // ECHUNK
VPC = ECHUNK // 16

R1 = 27
R2 = 149
W1 = R1 * NGENE
W2 = R2 * NCELL
W1P = 128576
W2P = 126208
ACCW = 128576

EDEC_PAD = 200704
EPT = EDEC_PAD // NTILE


def _mesh():
  return plsc.VectorSubcoreMesh(core_axis_name="c", subcore_axis_name="s")


def _wid():
  return lax.axis_index("s") * 2 + lax.axis_index("c")


@functools.partial(
    pl.kernel,
    out_type=[
        jax.ShapeDtypeStruct((NTILE * W1P,), jnp.float32),
        jax.ShapeDtypeStruct((NTILE * W2P,), jnp.float32),
    ],
    mesh=_mesh(),
    scratch_types=[
        pltpu.VMEM((ACCW,), jnp.float32),
        pltpu.VMEM((ECHUNK,), jnp.int32),
        pltpu.VMEM((ECHUNK,), jnp.int32),
    ],
    compiler_params=pltpu.CompilerParams(needs_layout_passes=False),
)
def _adj(s1, d1, s2, d2, a1, a2, acc, sbuf, dbuf):
  wid = _wid()

  ones = jnp.ones((16,), jnp.float32)

  def phase(src_hbm, dst_hbm, rows, cols, stride, out):
    lo = wid * rows

    def zero(i, _):
      acc[pl.ds(i * 16, 16)] = jnp.zeros((16,), jnp.float32)
      return 0

    lax.fori_loop(0, ACCW // 16, zero, 0)

    def chunk(k, _):
      pltpu.sync_copy(src_hbm.at[pl.ds(k * ECHUNK, ECHUNK)], sbuf)
      pltpu.sync_copy(dst_hbm.at[pl.ds(k * ECHUNK, ECHUNK)], dbuf)

      def vec(j, _):
        sv = sbuf[pl.ds(j * 16, 16)]
        dv = dbuf[pl.ds(j * 16, 16)]
        m = (dv >= lo) & (dv < lo + rows)
        idx = (dv - lo) * cols + sv
        plsc.addupdate_scatter(acc, [idx], ones, mask=m)
        return 0

      lax.fori_loop(0, VPC, vec, 0)
      return 0

    lax.fori_loop(0, NCHUNK, chunk, 0)
    pltpu.sync_copy(acc.at[pl.ds(0, stride)],
                    out.at[pl.ds(wid * stride, stride)])

  phase(s1, d1, R1, NGENE, W1P, a1)
  phase(s2, d2, R2, NCELL, W2P, a2)


KB = 128


def _conv_body(n_src, nkb, a_ref, x_ref, w_ref, b_ref, wp_ref, bp_ref,
               h_ref, p_ref, agg_ref, din_ref):
  k = pl.program_id(0)

  @pl.when(k == 0)
  def _init():
    agg_ref[...] = jnp.zeros_like(agg_ref)
    din_ref[...] = jnp.zeros_like(din_ref)

  a = a_ref[...]
  col = k * KB + lax.broadcasted_iota(jnp.int32, (1, KB), 1)
  a = jnp.where(col < n_src, a, 0.0)
  din_ref[...] += jnp.sum(a, axis=1, keepdims=True)
  dout = jnp.maximum(jnp.sum(a, axis=0, keepdims=True), 1.0)
  rs = jnp.transpose(lax.rsqrt(dout))
  row = k * KB + lax.broadcasted_iota(jnp.int32, (KB, 1), 0)
  xs = jnp.where(row < n_src, x_ref[...] * rs, 0.0)
  agg_ref[...] += jnp.dot(a, xs, preferred_element_type=jnp.float32,
                          precision=lax.Precision.DEFAULT)

  @pl.when(k == nkb - 1)
  def _fin():
    agg = agg_ref[...] * lax.rsqrt(jnp.maximum(din_ref[...], 1.0))
    h = jnp.dot(agg, w_ref[...], preferred_element_type=jnp.float32,
                precision=lax.Precision.DEFAULT) + b_ref[...]
    h = jnp.maximum(h, 0.0)
    h_ref[...] = h
    p_ref[...] = jnp.sum(h * wp_ref[...], axis=1, keepdims=True) + bp_ref[0]


def _conv(a, x, w, b, wp, bp):
  n_dst, n_src = a.shape
  nkb = (n_src + KB - 1) // KB
  return pl.pallas_call(
      functools.partial(_conv_body, n_src, nkb),
      grid=(nkb,),
      out_shape=(
          jax.ShapeDtypeStruct((n_dst, DIM), jnp.float32),
          jax.ShapeDtypeStruct((n_dst, 1), jnp.float32),
      ),
      in_specs=[
          pl.BlockSpec((n_dst, KB), lambda k: (0, k)),
          pl.BlockSpec((KB, DIM), lambda k: (k, 0)),
          pl.BlockSpec((DIM, DIM), lambda k: (0, 0)),
          pl.BlockSpec((1, DIM), lambda k: (0, 0)),
          pl.BlockSpec((1, DIM), lambda k: (0, 0)),
          pl.BlockSpec(memory_space=pltpu.SMEM),
      ],
      out_specs=(
          pl.BlockSpec((n_dst, DIM), lambda k: (0, 0)),
          pl.BlockSpec((n_dst, 1), lambda k: (0, 0)),
      ),
      scratch_shapes=[
          pltpu.VMEM((n_dst, DIM), jnp.float32),
          pltpu.VMEM((n_dst, 1), jnp.float32),
      ],
  )(a, x, w, b, wp, bp)


@functools.partial(
    pl.kernel,
    out_type=jax.ShapeDtypeStruct((EDEC_PAD,), jnp.float32),
    mesh=_mesh(),
    scratch_types=[
        pltpu.VMEM((NGENE,), jnp.float32),
        pltpu.VMEM((NCELL,), jnp.float32),
        pltpu.VMEM((EPT,), jnp.int32),
        pltpu.VMEM((EPT,), jnp.int32),
        pltpu.VMEM((EPT,), jnp.float32),
    ],
    compiler_params=pltpu.CompilerParams(needs_layout_passes=False),
)
def _dec(pg_hbm, pc_hbm, src_hbm, dst_hbm, out_hbm, pg, pc, sbuf, dbuf, obuf):
  wid = _wid()
  base = wid * EPT
  pltpu.sync_copy(pg_hbm, pg)
  pltpu.sync_copy(pc_hbm, pc)
  pltpu.sync_copy(src_hbm.at[pl.ds(base, EPT)], sbuf)
  pltpu.sync_copy(dst_hbm.at[pl.ds(base, EPT)], dbuf)

  def vec(j, _):
    sv = sbuf[pl.ds(j * 16, 16)]
    dv = dbuf[pl.ds(j * 16, 16)]
    g = plsc.load_gather(pg, [sv])
    c = plsc.load_gather(pc, [dv])
    obuf[pl.ds(j * 16, 16)] = g + c
    return 0

  lax.fori_loop(0, EPT // 16, vec, 0)
  pltpu.sync_copy(obuf, out_hbm.at[pl.ds(base, EPT)])


def kernel(enc_g2c_src, enc_g2c_dst, enc_c2g_src, enc_c2g_dst,
           dec_src, dec_dst,
           gene_emb, cell_emb, W_g2c, b_g2c, W_c2g, b_c2g, Wp, bp):
  i32 = jnp.int32
  a1f, a2f = _adj(enc_g2c_src.astype(i32), enc_g2c_dst.astype(i32),
                  enc_c2g_src.astype(i32), enc_c2g_dst.astype(i32))
  a1 = a1f.reshape(NTILE, W1P)[:, :W1].reshape(NTILE * R1, NGENE)
  a2 = a2f.reshape(NTILE, W2P)[:, :W2].reshape(NTILE * R2, NCELL)

  wp_g = Wp[:DIM, 0].reshape(1, DIM)
  wp_c = Wp[DIM:, 0].reshape(1, DIM)
  h_gene, p_gene = _conv(a2, cell_emb, W_c2g, b_c2g.reshape(1, DIM), wp_g, bp)
  h_cell, p_cell = _conv(a1, gene_emb, W_g2c, b_g2c.reshape(1, DIM), wp_c,
                         jnp.zeros_like(bp))
  h_gene = h_gene[:NGENE]
  h_cell = h_cell[:NCELL]
  p_gene = p_gene[:NGENE]
  p_cell = p_cell[:NCELL]

  pad = jnp.zeros((EDEC_PAD - NE_DEC,), i32)
  srcp = jnp.concatenate([dec_src.astype(i32), pad])
  dstp = jnp.concatenate([dec_dst.astype(i32), pad])
  score = _dec(p_gene.reshape(-1), p_cell.reshape(-1), srcp, dstp)
  score = score[:NE_DEC].reshape(NE_DEC, 1)
  return score, h_gene, h_cell

# --- scband reference (transcript-rebuilt; emitter-appended) ---
"""Pipeline reference for scband-rgcn-7739531067737 (READ-ONLY COPY).

The authoritative reference and input builder live on the scoring server;
editing this copy changes nothing except your own understanding.
"""

import jax, jax.numpy as jnp
import numpy as np

NG = 4762   # genes (hard-coded nn.Embedding(4762, 256))
NC = 847    # cells (hard-coded nn.Embedding(847, 256))
D = 256
E_ENC = 150000
E_DEC = 200000


def setup_inputs(seed: int = 0) -> dict:
    key = jax.random.key(seed)
    ks = jax.random.split(key, 16)
    inp = {
        # encoder graph: relation gene2cell (src=gene, dst=cell)
        "enc_g2c_src": jax.random.randint(ks[0], (E_ENC,), 0, NG),
        "enc_g2c_dst": jax.random.randint(ks[1], (E_ENC,), 0, NC),
        # encoder graph: relation cell2gene (src=cell, dst=gene)
        "enc_c2g_src": jax.random.randint(ks[2], (E_ENC,), 0, NC),
        "enc_c2g_dst": jax.random.randint(ks[3], (E_ENC,), 0, NG),
        # decoder graph edges (src=gene, dst=cell)
        "dec_src": jax.random.randint(ks[4], (E_DEC,), 0, NG),
        "dec_dst": jax.random.randint(ks[5], (E_DEC,), 0, NC),
        # learned parameters
        "gene_emb": jax.random.normal(ks[6], (NG, D), dtype=jnp.float32),
        "cell_emb": jax.random.normal(ks[7], (NC, D), dtype=jnp.float32),
        "W_g2c": jax.random.normal(ks[8], (D, D), dtype=jnp.float32) * 0.05,
        "b_g2c": jnp.zeros((D,), dtype=jnp.float32),
        "W_c2g": jax.random.normal(ks[9], (D, D), dtype=jnp.float32) * 0.05,
        "b_c2g": jnp.zeros((D,), dtype=jnp.float32),
        "Wp": jax.random.normal(ks[10], (2 * D, 1), dtype=jnp.float32) * 0.05,
        "bp": jnp.zeros((1,), dtype=jnp.float32),
    }
    return inp


def _graph_conv(x_src, src, dst, n_src, n_dst, W, b):
    # DGL GraphConv with norm='both': D_dst^{-1/2} A D_src^{-1/2} X W + b
    deg_out = jnp.clip(jnp.bincount(src, length=n_src), 1).astype(x_src.dtype)
    deg_in = jnp.clip(jnp.bincount(dst, length=n_dst), 1).astype(x_src.dtype)
    x = x_src * jax.lax.rsqrt(deg_out)[:, None]
    msg = jnp.take(x, src, axis=0)                      # gather
    agg = jnp.zeros((n_dst, x.shape[1]), x.dtype).at[dst].add(msg)  # scatter-add
    agg = agg * jax.lax.rsqrt(deg_in)[:, None]
    return agg @ W + b


def reference(enc_g2c_src, enc_g2c_dst, enc_c2g_src, enc_c2g_dst,
              dec_src, dec_dst,
              gene_emb, cell_emb, W_g2c, b_g2c, W_c2g, b_c2g, Wp, bp):
    # conv1 = HeteroGraphConv (aggregate='sum'); each ntype receives from one relation
    h_cell = jax.nn.relu(_graph_conv(gene_emb, enc_g2c_src, enc_g2c_dst, NG, NC, W_g2c, b_g2c))
    h_gene = jax.nn.relu(_graph_conv(cell_emb, enc_c2g_src, enc_c2g_dst, NC, NG, W_c2g, b_c2g))
    # HeteroMLPPredictor: score = Linear(cat([h_src, h_dst], 1)) on decoder edges
    e_feat = jnp.concatenate([jnp.take(h_gene, dec_src, axis=0),
                              jnp.take(h_cell, dec_dst, axis=0)], axis=1)
    score = e_feat @ Wp + bp
    return (score, h_gene, h_cell)

if __name__ == "__main__":
    import jax
    _d = setup_inputs()
    print(jax.jit(kernel)(*tuple(_d.values())))

</pallas_src>

<mosaic_0001>
#map = affine_map<(d0, d1) -> (0)>
module attributes {stable_mosaic.version = 14 : i64} {
  func.func @_adj(%arg0: i32, %arg1: i32, %arg2: memref<150000xi32, #tpu.memory_space<hbm>>, %arg3: memref<150000xi32, #tpu.memory_space<hbm>>, %arg4: memref<150000xi32, #tpu.memory_space<hbm>>, %arg5: memref<150000xi32, #tpu.memory_space<hbm>>, %arg6: memref<4114432xf32, #tpu.memory_space<hbm>>, %arg7: memref<4038656xf32, #tpu.memory_space<hbm>>, %arg8: memref<128576xf32, #tpu.memory_space<vmem>>, %arg9: memref<400xi32, #tpu.memory_space<vmem>>, %arg10: memref<400xi32, #tpu.memory_space<vmem>>) attributes {dimension_semantics = [#tpu.dimension_semantics<core_parallel>, #tpu.dimension_semantics<subcore_parallel>], iteration_bounds = array<i64: 2, 16>, scalar_prefetch = 0 : i64, scratch_operands = 3 : i64, tpu.core_type = #tpu.core_type<sc_vector_subcore>, window_params = [{transform_indices = #map}, {transform_indices = #map}, {transform_indices = #map}, {transform_indices = #map}, {transform_indices = #map}, {transform_indices = #map}]} {
    %mul3A = arith.constant 2 : i32
    %mul3A_0 = arith.muli %arg1, %mul3A : i32
    %add3A = arith.addi %mul3A_0, %arg0 : i32
    %broadcast_in_dim3A = arith.constant 1.000000e+00 : f32
    %broadcast_in_dim3A_1 = vector.broadcast %broadcast_in_dim3A : f32 to vector<16xf32>
    %mul3A_2 = arith.constant 27 : i32
    %mul3A_3 = arith.muli %add3A, %mul3A_2 : i32
    %scan3A = arith.constant 0 : i32
    %scan3A_4 = arith.constant 0 : i32
    %scan3A_5 = arith.constant 8036 : i32
    %scan3A_6 = arith.addi %scan3A_4, %scan3A_5 : i32
    %scan3A_7 = arith.constant 1 : i32
    %scan3A_8 = scf.for %scan3A_37 = %scan3A_4 to %scan3A_6 step %scan3A_7 iter_args(%scan3A_38 = %scan3A) -> (i32)  : i32 {
      %broadcast_in_dim3A_39 = arith.constant 0.000000e+00 : f32
      %broadcast_in_dim3A_40 = vector.broadcast %broadcast_in_dim3A_39 : f32 to vector<16xf32>
      %mul3A_41 = arith.constant 16 : i32
      %mul3A_42 = arith.muli %scan3A_37, %mul3A_41 : i32
      %swap3A = arith.index_cast %mul3A_42 : i32 to index
      %swap3A_43 = tpu.vector_load %arg8[%swap3A] {strides = array<i32>} : memref<128576xf32, #tpu.memory_space<vmem>>, vector<16xf32>,
      tpu.vector_store %arg8[%swap3A], %broadcast_in_dim3A_40 {strides = array<i32>} : memref<128576xf32, #tpu.memory_space<vmem>>, vector<16xf32>,
      %scan3A_44 = arith.constant 0 : i32
      scf.yield %scan3A_44 : i32
    }
    %scan3A_9 = arith.constant 8036 : i32
    %scan3A_10 = arith.constant 0 : i32
    %scan3A_11 = arith.constant 0 : i32
    %scan3A_12 = arith.constant 375 : i32
    %scan3A_13 = arith.addi %scan3A_11, %scan3A_12 : i32
    %scan3A_14 = arith.constant 1 : i32
    %scan3A_15 = scf.for %scan3A_37 = %scan3A_11 to %scan3A_13 step %scan3A_14 iter_args(%scan3A_38 = %scan3A_10) -> (i32)  : i32 {
      %mul3A_39 = arith.constant 400 : i32
      %mul3A_40 = arith.muli %scan3A_37, %mul3A_39 : i32
      "tpu.region"() ({
        %run_scoped3A = tpu.sem_alloc : memref<!tpu.dma_semaphore, #tpu.memory_space<semaphore_mem>>
        %dma_start3A = tpu.memref_slice %arg2[%mul3A_40] : memref<150000xi32, #tpu.memory_space<hbm>> -> memref<400xi32, #tpu.memory_space<hbm>>
        %dma_start3A_51 = tpu.memref_slice %arg2[%mul3A_40] : memref<150000xi32, #tpu.memory_space<hbm>> -> memref<400xi32, #tpu.memory_space<hbm>>
        tpu.enqueue_dma source(%dma_start3A_51 : memref<400xi32, #tpu.memory_space<hbm>>) target(%arg9 : memref<400xi32, #tpu.memory_space<vmem>>) target_semaphore(%run_scoped3A : memref<!tpu.dma_semaphore, #tpu.memory_space<semaphore_mem>>)
        %dma_wait3A = tpu.memref_slice %arg2[%mul3A_40] : memref<150000xi32, #tpu.memory_space<hbm>> -> memref<400xi32, #tpu.memory_space<hbm>>
        %dma_wait3A_52 = tpu.memref_slice %arg2[%mul3A_40] : memref<150000xi32, #tpu.memory_space<hbm>> -> memref<400xi32, #tpu.memory_space<hbm>>
        tpu.wait_dma2 semaphore(%run_scoped3A : memref<!tpu.dma_semaphore, #tpu.memory_space<semaphore_mem>>) src(%dma_wait3A_52 : memref<400xi32, #tpu.memory_space<hbm>>) dst(%arg9 : memref<400xi32, #tpu.memory_space<vmem>>)
        tpu.yield
      }) : () -> ()
      %mul3A_41 = arith.constant 400 : i32
      %mul3A_42 = arith.muli %scan3A_37, %mul3A_41 : i32
      "tpu.region"() ({
        %run_scoped3A = tpu.sem_alloc : memref<!tpu.dma_semaphore, #tpu.memory_space<semaphore_mem>>
        %dma_start3A = tpu.memref_slice %arg3[%mul3A_42] : memref<150000xi32, #tpu.memory_space<hbm>> -> memref<400xi32, #tpu.memory_space<hbm>>
        %dma_start3A_51 = tpu.memref_slice %arg3[%mul3A_42] : memref<150000xi32, #tpu.memory_space<hbm>> -> memref<400xi32, #tpu.memory_space<hbm>>
        tpu.enqueue_dma source(%dma_start3A_51 : memref<400xi32, #tpu.memory_space<hbm>>) target(%arg10 : memref<400xi32, #tpu.memory_space<vmem>>) target_semaphore(%run_scoped3A : memref<!tpu.dma_semaphore, #tpu.memory_space<semaphore_mem>>)
        %dma_wait3A = tpu.memref_slice %arg3[%mul3A_42] : memref<150000xi32, #tpu.memory_space<hbm>> -> memref<400xi32, #tpu.memory_space<hbm>>
        %dma_wait3A_52 = tpu.memref_slice %arg3[%mul3A_42] : memref<150000xi32, #tpu.memory_space<hbm>> -> memref<400xi32, #tpu.memory_space<hbm>>
        tpu.wait_dma2 semaphore(%run_scoped3A : memref<!tpu.dma_semaphore, #tpu.memory_space<semaphore_mem>>) src(%dma_wait3A_52 : memref<400xi32, #tpu.memory_space<hbm>>) dst(%arg10 : memref<400xi32, #tpu.memory_space<vmem>>)
        tpu.yield
      }) : () -> ()
      %scan3A_43 = arith.constant 0 : i32
      %scan3A_44 = arith.constant 0 : i32
      %scan3A_45 = arith.constant 25 : i32
      %scan3A_46 = arith.addi %scan3A_44, %scan3A_45 : i32
      %scan3A_47 = arith.constant 1 : i32
      %scan3A_48 = scf.for %scan3A_51 = %scan3A_44 to %scan3A_46 step %scan3A_47 iter_args(%scan3A_52 = %scan3A_43) -> (i32)  : i32 {
        %mul3A_53 = arith.constant 16 : i32
        %mul3A_54 = arith.muli %scan3A_51, %mul3A_53 : i32
        %get3A = arith.index_cast %mul3A_54 : i32 to index
        %get3A_55 = tpu.vector_load %arg9[%get3A] {strides = array<i32>} : memref<400xi32, #tpu.memory_space<vmem>>, vector<16xi32>,
        %mul3A_56 = arith.constant 16 : i32
        %mul3A_57 = arith.muli %scan3A_51, %mul3A_56 : i32
        %get3A_58 = arith.index_cast %mul3A_57 : i32 to index
        %get3A_59 = tpu.vector_load %arg10[%get3A_58] {strides = array<i32>} : memref<400xi32, #tpu.memory_space<vmem>>, vector<16xi32>,
        %ge3A = vector.broadcast %mul3A_3 : i32 to vector<16xi32>
        %ge3A_60 = arith.cmpi sge, %get3A_59, %ge3A : vector<16xi32>
        %add3A_61 = arith.constant 27 : i32
        %add3A_62 = arith.addi %mul3A_3, %add3A_61 : i32
        %lt3A = vector.broadcast %add3A_62 : i32 to vector<16xi32>
        %lt3A_63 = arith.cmpi slt, %get3A_59, %lt3A : vector<16xi32>
        %and3A = arith.andi %ge3A_60, %lt3A_63 : vector<16xi1>
        %sub3A = vector.broadcast %mul3A_3 : i32 to vector<16xi32>
        %sub3A_64 = arith.subi %get3A_59, %sub3A : vector<16xi32>
        %mul3A_65 = arith.constant 4762 : i32
        %mul3A_66 = vector.broadcast %mul3A_65 : i32 to vector<16xi32>
        %mul3A_67 = arith.muli %sub3A_64, %mul3A_66 : vector<16xi32>
        %add3A_68 = arith.addi %mul3A_67, %get3A_55 : vector<16xi32>
        tpu.vector_store_idx %arg8[%add3A_68], %broadcast_in_dim3A_1 masked %and3A {add = true} : memref<128576xf32, #tpu.memory_space<vmem>>[vector<16xi32>], vector<16xf32>, vector<16xi1>
        %scan3A_69 = arith.constant 0 : i32
        scf.yield %scan3A_69 : i32
      }
      %scan3A_49 = arith.constant 25 : i32
      %scan3A_50 = arith.constant 0 : i32
      scf.yield %scan3A_50 : i32
    }
    %scan3A_16 = arith.constant 375 : i32
    %mul3A_17 = arith.constant 128576 : i32
    %mul3A_18 = arith.muli %add3A, %mul3A_17 : i32
    "tpu.region"() ({
      %run_scoped3A = tpu.sem_alloc : memref<!tpu.dma_semaphore, #tpu.memory_space<semaphore_mem>>
      %dma_start3A = arith.constant 0 : i32
      %dma_start3A_37 = tpu.memref_slice %arg8[%dma_start3A] : memref<128576xf32, #tpu.memory_space<vmem>> -> memref<128576xf32, #tpu.memory_space<vmem>>
      %dma_start3A_38 = tpu.memref_slice %arg6[%mul3A_18] : memref<4114432xf32, #tpu.memory_space<hbm>> -> memref<128576xf32, #tpu.memory_space<hbm>>
      %dma_start3A_39 = tpu.memref_slice %arg6[%mul3A_18] : memref<4114432xf32, #tpu.memory_space<hbm>> -> memref<128576xf32, #tpu.memory_space<hbm>>
      %dma_start3A_40 = arith.constant 0 : i32
      %dma_start3A_41 = tpu.memref_slice %arg8[%dma_start3A_40] : memref<128576xf32, #tpu.memory_space<vmem>> -> memref<128576xf32, #tpu.memory_space<vmem>>
      tpu.enqueue_dma source(%dma_start3A_41 : memref<128576xf32, #tpu.memory_space<vmem>>) target(%dma_start3A_39 : memref<128576xf32, #tpu.memory_space<hbm>>) target_semaphore(%run_scoped3A : memref<!tpu.dma_semaphore, #tpu.memory_space<semaphore_mem>>)
      %dma_wait3A = arith.constant 0 : i32
      %dma_wait3A_42 = tpu.memref_slice %arg8[%dma_wait3A] : memref<128576xf32, #tpu.memory_space<vmem>> -> memref<128576xf32, #tpu.memory_space<vmem>>
      %dma_wait3A_43 = tpu.memref_slice %arg6[%mul3A_18] : memref<4114432xf32, #tpu.memory_space<hbm>> -> memref<128576xf32, #tpu.memory_space<hbm>>
      %dma_wait3A_44 = tpu.memref_slice %arg6[%mul3A_18] : memref<4114432xf32, #tpu.memory_space<hbm>> -> memref<128576xf32, #tpu.memory_space<hbm>>
      %dma_wait3A_45 = arith.constant 0 : i32
      %dma_wait3A_46 = tpu.memref_slice %arg8[%dma_wait3A_45] : memref<128576xf32, #tpu.memory_space<vmem>> -> memref<128576xf32, #tpu.memory_space<vmem>>
      tpu.wait_dma2 semaphore(%run_scoped3A : memref<!tpu.dma_semaphore, #tpu.memory_space<semaphore_mem>>) src(%dma_wait3A_46 : memref<128576xf32, #tpu.memory_space<vmem>>) dst(%dma_wait3A_44 : memref<128576xf32, #tpu.memory_space<hbm>>)
      tpu.yield
    }) : () -> ()
    %mul3A_19 = arith.constant 149 : i32
    %mul3A_20 = arith.muli %add3A, %mul3A_19 : i32
    %scan3A_21 = arith.constant 0 : i32
    %scan3A_22 = arith.constant 0 : i32
    %scan3A_23 = arith.constant 8036 : i32
    %scan3A_24 = arith.addi %scan3A_22, %scan3A_23 : i32
    %scan3A_25 = arith.constant 1 : i32
    %scan3A_26 = scf.for %scan3A_37 = %scan3A_22 to %scan3A_24 step %scan3A_25 iter_args(%scan3A_38 = %scan3A_21) -> (i32)  : i32 {
      %broadcast_in_dim3A_39 = arith.constant 0.000000e+00 : f32
      %broadcast_in_dim3A_40 = vector.broadcast %broadcast_in_dim3A_39 : f32 to vector<16xf32>
      %mul3A_41 = arith.constant 16 : i32
      %mul3A_42 = arith.muli %scan3A_37, %mul3A_41 : i32
      %swap3A = arith.index_cast %mul3A_42 : i32 to index
      %swap3A_43 = tpu.vector_load %arg8[%swap3A] {strides = array<i32>} : memref<128576xf32, #tpu.memory_space<vmem>>, vector<16xf32>,
      tpu.vector_store %arg8[%swap3A], %broadcast_in_dim3A_40 {strides = array<i32>} : memref<128576xf32, #tpu.memory_space<vmem>>, vector<16xf32>,
      %scan3A_44 = arith.constant 0 : i32
      scf.yield %scan3A_44 : i32
    }
    %scan3A_27 = arith.constant 8036 : i32
    %scan3A_28 = arith.constant 0 : i32
    %scan3A_29 = arith.constant 0 : i32
    %scan3A_30 = arith.constant 375 : i32
    %scan3A_31 = arith.addi %scan3A_29, %scan3A_30 : i32
    %scan3A_32 = arith.constant 1 : i32
    %scan3A_33 = scf.for %scan3A_37 = %scan3A_29 to %scan3A_31 step %scan3A_32 iter_args(%scan3A_38 = %scan3A_28) -> (i32)  : i32 {
      %mul3A_39 = arith.constant 400 : i32
      %mul3A_40 = arith.muli %scan3A_37, %mul3A_39 : i32
      "tpu.region"() ({
        %run_scoped3A = tpu.sem_alloc : memref<!tpu.dma_semaphore, #tpu.memory_space<semaphore_mem>>
        %dma_start3A = tpu.memref_slice %arg4[%mul3A_40] : memref<150000xi32, #tpu.memory_space<hbm>> -> memref<400xi32, #tpu.memory_space<hbm>>
        %dma_start3A_51 = tpu.memref_slice %arg4[%mul3A_40] : memref<150000xi32, #tpu.memory_space<hbm>> -> memref<400xi32, #tpu.memory_space<hbm>>
        tpu.enqueue_dma source(%dma_start3A_51 : memref<400xi32, #tpu.memory_space<hbm>>) target(%arg9 : memref<400xi32, #tpu.memory_space<vmem>>) target_semaphore(%run_scoped3A : memref<!tpu.dma_semaphore, #tpu.memory_space<semaphore_mem>>)
        %dma_wait3A = tpu.memref_slice %arg4[%mul3A_40] : memref<150000xi32, #tpu.memory_space<hbm>> -> memref<400xi32, #tpu.memory_space<hbm>>
        %dma_wait3A_52 = tpu.memref_slice %arg4[%mul3A_40] : memref<150000xi32, #tpu.memory_space<hbm>> -> memref<400xi32, #tpu.memory_space<hbm>>
        tpu.wait_dma2 semaphore(%run_scoped3A : memref<!tpu.dma_semaphore, #tpu.memory_space<semaphore_mem>>) src(%dma_wait3A_52 : memref<400xi32, #tpu.memory_space<hbm>>) dst(%arg9 : memref<400xi32, #tpu.memory_space<vmem>>)
        tpu.yield
      }) : () -> ()
      %mul3A_41 = arith.constant 400 : i32
      %mul3A_42 = arith.muli %scan3A_37, %mul3A_41 : i32
      "tpu.region"() ({
        %run_scoped3A = tpu.sem_alloc : memref<!tpu.dma_semaphore, #tpu.memory_space<semaphore_mem>>
        %dma_start3A = tpu.memref_slice %arg5[%mul3A_42] : memref<150000xi32, #tpu.memory_space<hbm>> -> memref<400xi32, #tpu.memory_space<hbm>>
        %dma_start3A_51 = tpu.memref_slice %arg5[%mul3A_42] : memref<150000xi32, #tpu.memory_space<hbm>> -> memref<400xi32, #tpu.memory_space<hbm>>
        tpu.enqueue_dma source(%dma_start3A_51 : memref<400xi32, #tpu.memory_space<hbm>>) target(%arg10 : memref<400xi32, #tpu.memory_space<vmem>>) target_semaphore(%run_scoped3A : memref<!tpu.dma_semaphore, #tpu.memory_space<semaphore_mem>>)
        %dma_wait3A = tpu.memref_slice %arg5[%mul3A_42] : memref<150000xi32, #tpu.memory_space<hbm>> -> memref<400xi32, #tpu.memory_space<hbm>>
        %dma_wait3A_52 = tpu.memref_slice %arg5[%mul3A_42] : memref<150000xi32, #tpu.memory_space<hbm>> -> memref<400xi32, #tpu.memory_space<hbm>>
        tpu.wait_dma2 semaphore(%run_scoped3A : memref<!tpu.dma_semaphore, #tpu.memory_space<semaphore_mem>>) src(%dma_wait3A_52 : memref<400xi32, #tpu.memory_space<hbm>>) dst(%arg10 : memref<400xi32, #tpu.memory_space<vmem>>)
        tpu.yield
      }) : () -> ()
      %scan3A_43 = arith.constant 0 : i32
      %scan3A_44 = arith.constant 0 : i32
      %scan3A_45 = arith.constant 25 : i32
      %scan3A_46 = arith.addi %scan3A_44, %scan3A_45 : i32
      %scan3A_47 = arith.constant 1 : i32
      %scan3A_48 = scf.for %scan3A_51 = %scan3A_44 to %scan3A_46 step %scan3A_47 iter_args(%scan3A_52 = %scan3A_43) -> (i32)  : i32 {
        %mul3A_53 = arith.constant 16 : i32
        %mul3A_54 = arith.muli %scan3A_51, %mul3A_53 : i32
        %get3A = arith.index_cast %mul3A_54 : i32 to index
        %get3A_55 = tpu.vector_load %arg9[%get3A] {strides = array<i32>} : memref<400xi32, #tpu.memory_space<vmem>>, vector<16xi32>,
        %mul3A_56 = arith.constant 16 : i32
        %mul3A_57 = arith.muli %scan3A_51, %mul3A_56 : i32
        %get3A_58 = arith.index_cast %mul3A_57 : i32 to index
        %get3A_59 = tpu.vector_load %arg10[%get3A_58] {strides = array<i32>} : memref<400xi32, #tpu.memory_space<vmem>>, vector<16xi32>,
        %ge3A = vector.broadcast %mul3A_20 : i32 to vector<16xi32>
        %ge3A_60 = arith.cmpi sge, %get3A_59, %ge3A : vector<16xi32>
        %add3A_61 = arith.constant 149 : i32
        %add3A_62 = arith.addi %mul3A_20, %add3A_61 : i32
        %lt3A = vector.broadcast %add3A_62 : i32 to vector<16xi32>
        %lt3A_63 = arith.cmpi slt, %get3A_59, %lt3A : vector<16xi32>
        %and3A = arith.andi %ge3A_60, %lt3A_63 : vector<16xi1>
        %sub3A = vector.broadcast %mul3A_20 : i32 to vector<16xi32>
        %sub3A_64 = arith.subi %get3A_59, %sub3A : vector<16xi32>
        %mul3A_65 = arith.constant 847 : i32
        %mul3A_66 = vector.broadcast %mul3A_65 : i32 to vector<16xi32>
        %mul3A_67 = arith.muli %sub3A_64, %mul3A_66 : vector<16xi32>
        %add3A_68 = arith.addi %mul3A_67, %get3A_55 : vector<16xi32>
        tpu.vector_store_idx %arg8[%add3A_68], %broadcast_in_dim3A_1 masked %and3A {add = true} : memref<128576xf32, #tpu.memory_space<vmem>>[vector<16xi32>], vector<16xf32>, vector<16xi1>
        %scan3A_69 = arith.constant 0 : i32
        scf.yield %scan3A_69 : i32
      }
      %scan3A_49 = arith.constant 25 : i32
      %scan3A_50 = arith.constant 0 : i32
      scf.yield %scan3A_50 : i32
    }
    %scan3A_34 = arith.constant 375 : i32
    %mul3A_35 = arith.constant 126208 : i32
    %mul3A_36 = arith.muli %add3A, %mul3A_35 : i32
    "tpu.region"() ({
      %run_scoped3A = tpu.sem_alloc : memref<!tpu.dma_semaphore, #tpu.memory_space<semaphore_mem>>
      %dma_start3A = arith.constant 0 : i32
      %dma_start3A_37 = tpu.memref_slice %arg8[%dma_start3A] : memref<128576xf32, #tpu.memory_space<vmem>> -> memref<126208xf32, #tpu.memory_space<vmem>>
      %dma_start3A_38 = tpu.memref_slice %arg7[%mul3A_36] : memref<4038656xf32, #tpu.memory_space<hbm>> -> memref<126208xf32, #tpu.memory_space<hbm>>
      %dma_start3A_39 = tpu.memref_slice %arg7[%mul3A_36] : memref<4038656xf32, #tpu.memory_space<hbm>> -> memref<126208xf32, #tpu.memory_space<hbm>>
      %dma_start3A_40 = arith.constant 0 : i32
      %dma_start3A_41 = tpu.memref_slice %arg8[%dma_start3A_40] : memref<128576xf32, #tpu.memory_space<vmem>> -> memref<126208xf32, #tpu.memory_space<vmem>>
      tpu.enqueue_dma source(%dma_start3A_41 : memref<126208xf32, #tpu.memory_space<vmem>>) target(%dma_start3A_39 : memref<126208xf32, #tpu.memory_space<hbm>>) target_semaphore(%run_scoped3A : memref<!tpu.dma_semaphore, #tpu.memory_space<semaphore_mem>>)
      %dma_wait3A = arith.constant 0 : i32
      %dma_wait3A_42 = tpu.memref_slice %arg8[%dma_wait3A] : memref<128576xf32, #tpu.memory_space<vmem>> -> memref<126208xf32, #tpu.memory_space<vmem>>
      %dma_wait3A_43 = tpu.memref_slice %arg7[%mul3A_36] : memref<4038656xf32, #tpu.memory_space<hbm>> -> memref<126208xf32, #tpu.memory_space<hbm>>
      %dma_wait3A_44 = tpu.memref_slice %arg7[%mul3A_36] : memref<4038656xf32, #tpu.memory_space<hbm>> -> memref<126208xf32, #tpu.memory_space<hbm>>
      %dma_wait3A_45 = arith.constant 0 : i32
      %dma_wait3A_46 = tpu.memref_slice %arg8[%dma_wait3A_45] : memref<128576xf32, #tpu.memory_space<vmem>> -> memref<126208xf32, #tpu.memory_space<vmem>>
      tpu.wait_dma2 semaphore(%run_scoped3A : memref<!tpu.dma_semaphore, #tpu.memory_space<semaphore_mem>>) src(%dma_wait3A_46 : memref<126208xf32, #tpu.memory_space<vmem>>) dst(%dma_wait3A_44 : memref<126208xf32, #tpu.memory_space<hbm>>)
      tpu.yield
    }) : () -> ()
    return
  }
}

#map = affine_map<(d0, d1) -> (0)>
module attributes {stable_mosaic.version = 14 : i64} {
  func.func @_dec(%arg0: i32, %arg1: i32, %arg2: memref<4762xf32, #tpu.memory_space<hbm>>, %arg3: memref<847xf32, #tpu.memory_space<hbm>>, %arg4: memref<200704xi32, #tpu.memory_space<hbm>>, %arg5: memref<200704xi32, #tpu.memory_space<hbm>>, %arg6: memref<200704xf32, #tpu.memory_space<hbm>>, %arg7: memref<4762xf32, #tpu.memory_space<vmem>>, %arg8: memref<847xf32, #tpu.memory_space<vmem>>, %arg9: memref<6272xi32, #tpu.memory_space<vmem>>, %arg10: memref<6272xi32, #tpu.memory_space<vmem>>, %arg11: memref<6272xf32, #tpu.memory_space<vmem>>) attributes {dimension_semantics = [#tpu.dimension_semantics<core_parallel>, #tpu.dimension_semantics<subcore_parallel>], iteration_bounds = array<i64: 2, 16>, scalar_prefetch = 0 : i64, scratch_operands = 5 : i64, tpu.core_type = #tpu.core_type<sc_vector_subcore>, window_params = [{transform_indices = #map}, {transform_indices = #map}, {transform_indices = #map}, {transform_indices = #map}, {transform_indices = #map}]} {
    %mul3A = arith.constant 2 : i32
    %mul3A_0 = arith.muli %arg1, %mul3A : i32
    %add3A = arith.addi %mul3A_0, %arg0 : i32
    %mul3A_1 = arith.constant 6272 : i32
    %mul3A_2 = arith.muli %add3A, %mul3A_1 : i32
    "tpu.region"() ({
      %run_scoped3A = tpu.sem_alloc : memref<!tpu.dma_semaphore, #tpu.memory_space<semaphore_mem>>
      tpu.enqueue_dma source(%arg2 : memref<4762xf32, #tpu.memory_space<hbm>>) target(%arg7 : memref<4762xf32, #tpu.memory_space<vmem>>) target_semaphore(%run_scoped3A : memref<!tpu.dma_semaphore, #tpu.memory_space<semaphore_mem>>)
      tpu.wait_dma2 semaphore(%run_scoped3A : memref<!tpu.dma_semaphore, #tpu.memory_space<semaphore_mem>>) src(%arg2 : memref<4762xf32, #tpu.memory_space<hbm>>) dst(%arg7 : memref<4762xf32, #tpu.memory_space<vmem>>)
      tpu.yield
    }) : () -> ()
    "tpu.region"() ({
      %run_scoped3A = tpu.sem_alloc : memref<!tpu.dma_semaphore, #tpu.memory_space<semaphore_mem>>
      tpu.enqueue_dma source(%arg3 : memref<847xf32, #tpu.memory_space<hbm>>) target(%arg8 : memref<847xf32, #tpu.memory_space<vmem>>) target_semaphore(%run_scoped3A : memref<!tpu.dma_semaphore, #tpu.memory_space<semaphore_mem>>)
      tpu.wait_dma2 semaphore(%run_scoped3A : memref<!tpu.dma_semaphore, #tpu.memory_space<semaphore_mem>>) src(%arg3 : memref<847xf32, #tpu.memory_space<hbm>>) dst(%arg8 : memref<847xf32, #tpu.memory_space<vmem>>)
      tpu.yield
    }) : () -> ()
    "tpu.region"() ({
      %run_scoped3A = tpu.sem_alloc : memref<!tpu.dma_semaphore, #tpu.memory_space<semaphore_mem>>
      %dma_start3A = tpu.memref_slice %arg4[%mul3A_2] : memref<200704xi32, #tpu.memory_space<hbm>> -> memref<6272xi32, #tpu.memory_space<hbm>>
      %dma_start3A_9 = tpu.memref_slice %arg4[%mul3A_2] : memref<200704xi32, #tpu.memory_space<hbm>> -> memref<6272xi32, #tpu.memory_space<hbm>>
      tpu.enqueue_dma source(%dma_start3A_9 : memref<6272xi32, #tpu.memory_space<hbm>>) target(%arg9 : memref<6272xi32, #tpu.memory_space<vmem>>) target_semaphore(%run_scoped3A : memref<!tpu.dma_semaphore, #tpu.memory_space<semaphore_mem>>)
      %dma_wait3A = tpu.memref_slice %arg4[%mul3A_2] : memref<200704xi32, #tpu.memory_space<hbm>> -> memref<6272xi32, #tpu.memory_space<hbm>>
      %dma_wait3A_10 = tpu.memref_slice %arg4[%mul3A_2] : memref<200704xi32, #tpu.memory_space<hbm>> -> memref<6272xi32, #tpu.memory_space<hbm>>
      tpu.wait_dma2 semaphore(%run_scoped3A : memref<!tpu.dma_semaphore, #tpu.memory_space<semaphore_mem>>) src(%dma_wait3A_10 : memref<6272xi32, #tpu.memory_space<hbm>>) dst(%arg9 : memref<6272xi32, #tpu.memory_space<vmem>>)
      tpu.yield
    }) : () -> ()
    "tpu.region"() ({
      %run_scoped3A = tpu.sem_alloc : memref<!tpu.dma_semaphore, #tpu.memory_space<semaphore_mem>>
      %dma_start3A = tpu.memref_slice %arg5[%mul3A_2] : memref<200704xi32, #tpu.memory_space<hbm>> -> memref<6272xi32, #tpu.memory_space<hbm>>
      %dma_start3A_9 = tpu.memref_slice %arg5[%mul3A_2] : memref<200704xi32, #tpu.memory_space<hbm>> -> memref<6272xi32, #tpu.memory_space<hbm>>
      tpu.enqueue_dma source(%dma_start3A_9 : memref<6272xi32, #tpu.memory_space<hbm>>) target(%arg10 : memref<6272xi32, #tpu.memory_space<vmem>>) target_semaphore(%run_scoped3A : memref<!tpu.dma_semaphore, #tpu.memory_space<semaphore_mem>>)
      %dma_wait3A = tpu.memref_slice %arg5[%mul3A_2] : memref<200704xi32, #tpu.memory_space<hbm>> -> memref<6272xi32, #tpu.memory_space<hbm>>
      %dma_wait3A_10 = tpu.memref_slice %arg5[%mul3A_2] : memref<200704xi32, #tpu.memory_space<hbm>> -> memref<6272xi32, #tpu.memory_space<hbm>>
      tpu.wait_dma2 semaphore(%run_scoped3A : memref<!tpu.dma_semaphore, #tpu.memory_space<semaphore_mem>>) src(%dma_wait3A_10 : memref<6272xi32, #tpu.memory_space<hbm>>) dst(%arg10 : memref<6272xi32, #tpu.memory_space<vmem>>)
      tpu.yield
    }) : () -> ()
    %scan3A = arith.constant 0 : i32
    %scan3A_3 = arith.constant 0 : i32
    %scan3A_4 = arith.constant 392 : i32
    %scan3A_5 = arith.addi %scan3A_3, %scan3A_4 : i32
    %scan3A_6 = arith.constant 1 : i32
    %scan3A_7 = scf.for %scan3A_9 = %scan3A_3 to %scan3A_5 step %scan3A_6 iter_args(%scan3A_10 = %scan3A) -> (i32)  : i32 {
      %mul3A_11 = arith.constant 16 : i32
      %mul3A_12 = arith.muli %scan3A_9, %mul3A_11 : i32
      %get3A = arith.index_cast %mul3A_12 : i32 to index
      %get3A_13 = tpu.vector_load %arg9[%get3A] {strides = array<i32>} : memref<6272xi32, #tpu.memory_space<vmem>>, vector<16xi32>,
      %mul3A_14 = arith.constant 16 : i32
      %mul3A_15 = arith.muli %scan3A_9, %mul3A_14 : i32
      %get3A_16 = arith.index_cast %mul3A_15 : i32 to index
      %get3A_17 = tpu.vector_load %arg10[%get3A_16] {strides = array<i32>} : memref<6272xi32, #tpu.memory_space<vmem>>, vector<16xi32>,
      %gather3A = tpu.vector_load_idx %arg7[%get3A_13] : memref<4762xf32, #tpu.memory_space<vmem>>[vector<16xi32>], vector<16xf32>,
      %gather3A_18 = tpu.vector_load_idx %arg8[%get3A_17] : memref<847xf32, #tpu.memory_space<vmem>>[vector<16xi32>], vector<16xf32>,
      %add3A_19 = arith.addf %gather3A, %gather3A_18 : vector<16xf32>
      %mul3A_20 = arith.constant 16 : i32
      %mul3A_21 = arith.muli %scan3A_9, %mul3A_20 : i32
      %swap3A = arith.index_cast %mul3A_21 : i32 to index
      %swap3A_22 = tpu.vector_load %arg11[%swap3A] {strides = array<i32>} : memref<6272xf32, #tpu.memory_space<vmem>>, vector<16xf32>,
      tpu.vector_store %arg11[%swap3A], %add3A_19 {strides = array<i32>} : memref<6272xf32, #tpu.memory_space<vmem>>, vector<16xf32>,
      %scan3A_23 = arith.constant 0 : i32
      scf.yield %scan3A_23 : i32
    }
    %scan3A_8 = arith.constant 392 : i32
    "tpu.region"() ({
      %run_scoped3A = tpu.sem_alloc : memref<!tpu.dma_semaphore, #tpu.memory_space<semaphore_mem>>
      %dma_start3A = tpu.memref_slice %arg6[%mul3A_2] : memref<200704xf32, #tpu.memory_space<hbm>> -> memref<6272xf32, #tpu.memory_space<hbm>>
      %dma_start3A_9 = tpu.memref_slice %arg6[%mul3A_2] : memref<200704xf32, #tpu.memory_space<hbm>> -> memref<6272xf32, #tpu.memory_space<hbm>>
      tpu.enqueue_dma source(%arg11 : memref<6272xf32, #tpu.memory_space<vmem>>) target(%dma_start3A_9 : memref<6272xf32, #tpu.memory_space<hbm>>) target_semaphore(%run_scoped3A : memref<!tpu.dma_semaphore, #tpu.memory_space<semaphore_mem>>)
      %dma_wait3A = tpu.memref_slice %arg6[%mul3A_2] : memref<200704xf32, #tpu.memory_space<hbm>> -> memref<6272xf32, #tpu.memory_space<hbm>>
      %dma_wait3A_10 = tpu.memref_slice %arg6[%mul3A_2] : memref<200704xf32, #tpu.memory_space<hbm>> -> memref<6272xf32, #tpu.memory_space<hbm>>
      tpu.wait_dma2 semaphore(%run_scoped3A : memref<!tpu.dma_semaphore, #tpu.memory_space<semaphore_mem>>) src(%arg11 : memref<6272xf32, #tpu.memory_space<vmem>>) dst(%dma_wait3A_10 : memref<6272xf32, #tpu.memory_space<hbm>>)
      tpu.yield
    }) : () -> ()
    return
  }
}

module attributes {stable_mosaic.version = 14 : i64} {
  func.func @_conv_body(%arg0: i32, %arg1: memref<4768x128xf32, #tpu.memory_space<vmem>>, %arg2: memref<128x256xf32, #tpu.memory_space<vmem>>, %arg3: memref<256x256xf32, #tpu.memory_space<vmem>>, %arg4: memref<1x256xf32, #tpu.memory_space<vmem>>, %arg5: memref<1x256xf32, #tpu.memory_space<vmem>>, %arg6: memref<1xf32, #tpu.memory_space<smem>>, %arg7: memref<4768x256xf32, #tpu.memory_space<vmem>>, %arg8: memref<4768x1xf32, #tpu.memory_space<vmem>>, %arg9: memref<4768x256xf32, #tpu.memory_space<vmem>>, %arg10: memref<4768x1xf32, #tpu.memory_space<vmem>>) attributes {dimension_semantics = [#tpu.dimension_semantics<arbitrary>], iteration_bounds = array<i64: 7>, scalar_prefetch = 0 : i64, scratch_operands = 2 : i64, tpu.core_type = #tpu.core_type<tc>, window_params = [{transform_indices = @transform_0, window_bounds = array<i64: 4768, 128>}, {transform_indices = @transform_1, window_bounds = array<i64: 128, 256>}, {pipeline_mode = #tpu.pipeline_mode<synchronous>, transform_indices = @transform_2, window_bounds = array<i64: 256, 256>}, {pipeline_mode = #tpu.pipeline_mode<synchronous>, transform_indices = @transform_3, window_bounds = array<i64: 1, 256>}, {pipeline_mode = #tpu.pipeline_mode<synchronous>, transform_indices = @transform_4, window_bounds = array<i64: 1, 256>}, {transform_indices = @transform_5, window_bounds = array<i64: 1>}, {pipeline_mode = #tpu.pipeline_mode<synchronous>, transform_indices = @transform_6, window_bounds = array<i64: 4768, 256>}, {pipeline_mode = #tpu.pipeline_mode<synchronous>, transform_indices = @transform_7, window_bounds = array<i64: 4768, 1>}]} {
    %eq3A = arith.constant 0 : i32
    %eq3A_0 = arith.cmpi eq, %arg0, %eq3A : i32
    %convert_element_type3A = arith.extui %eq3A_0 : i1 to i32
    %cond3A = arith.constant 0 : i32
    %cond3A_1 = arith.cmpi ne, %convert_element_type3A, %cond3A : i32
    scf.if %cond3A_1 {
      %broadcast_in_dim3A_54 = arith.constant 0.000000e+00 : f32
      %broadcast_in_dim3A_55 = vector.broadcast %broadcast_in_dim3A_54 : f32 to vector<4768x256xf32>
      %swap3A_56 = arith.constant 0 : index
      %swap3A_57 = arith.constant 0 : index
      %swap3A_58 = vector.load %arg9[%swap3A_56, %swap3A_57] : memref<4768x256xf32, #tpu.memory_space<vmem>>, vector<4768x256xf32>
      tpu.vector_store %arg9[%swap3A_56, %swap3A_57], %broadcast_in_dim3A_55 {strides = array<i32>} : memref<4768x256xf32, #tpu.memory_space<vmem>>, vector<4768x256xf32>,
      %broadcast_in_dim3A_59 = arith.constant 0.000000e+00 : f32
      %broadcast_in_dim3A_60 = vector.broadcast %broadcast_in_dim3A_59 : f32 to vector<4768x1xf32>
      %swap3A_61 = arith.constant 0 : index
      %swap3A_62 = arith.constant 0 : index
      %swap3A_63 = vector.load %arg10[%swap3A_61, %swap3A_62] : memref<4768x1xf32, #tpu.memory_space<vmem>>, vector<4768x1xf32>
      tpu.vector_store %arg10[%swap3A_61, %swap3A_62], %broadcast_in_dim3A_60 {strides = array<i32>} : memref<4768x1xf32, #tpu.memory_space<vmem>>, vector<4768x1xf32>,
    } else {
    }
    %get3A = arith.constant 0 : index
    %get3A_2 = arith.constant 0 : index
    %get3A_3 = vector.load %arg1[%get3A, %get3A_2] : memref<4768x128xf32, #tpu.memory_space<vmem>>, vector<4768x128xf32>
    %mul3A = arith.constant 128 : i32
    %mul3A_4 = arith.muli %arg0, %mul3A : i32
    %iota3A = tpu.iota {dimensions = array<i32: 1>} : vector<1x128xi32>
    %add3A = vector.broadcast %mul3A_4 : i32 to vector<1x128xi32>
    %add3A_5 = arith.addi %add3A, %iota3A : vector<1x128xi32>
    %lt3A = arith.constant 847 : i32
    %lt3A_6 = vector.broadcast %lt3A : i32 to vector<1x128xi32>
    %lt3A_7 = arith.cmpi slt, %add3A_5, %lt3A_6 : vector<1x128xi32>
    %jit3A = arith.constant 0.000000e+00 : f32
    %broadcast_in_dim3A = vector.shape_cast %lt3A_7 : vector<1x128xi1> to vector<1x128xi1>
    %broadcast_in_dim3A_8 = vector.broadcast %broadcast_in_dim3A : vector<1x128xi1> to vector<4768x128xi1>
    %broadcast_in_dim3A_9 = vector.broadcast %jit3A : f32 to vector<4768x128xf32>
    %select_n3A = arith.select %broadcast_in_dim3A_8, %get3A_3, %broadcast_in_dim3A_9 : vector<4768x128xi1>, vector<4768x128xf32>
    %get3A_10 = arith.constant 0 : index
    %get3A_11 = arith.constant 0 : index
    %get3A_12 = vector.load %arg10[%get3A_10, %get3A_11] : memref<4768x1xf32, #tpu.memory_space<vmem>>, vector<4768x1xf32>
    %reduce_sum3A = arith.constant dense<0.000000e+00> : vector<4768xf32>
    %reduce_sum3A_13 = vector.multi_reduction <add>, %select_n3A, %reduce_sum3A [1] : vector<4768x128xf32> to vector<4768xf32>
    %broadcast_in_dim3A_14 = vector.shape_cast %reduce_sum3A_13 : vector<4768xf32> to vector<4768x1xf32>
    %add3A_15 = arith.addf %get3A_12, %broadcast_in_dim3A_14 : vector<4768x1xf32>
    %swap3A = arith.constant 0 : index
    %swap3A_16 = arith.constant 0 : index
    %swap3A_17 = vector.load %arg10[%swap3A, %swap3A_16] : memref<4768x1xf32, #tpu.memory_space<vmem>>, vector<4768x1xf32>
    tpu.vector_store %arg10[%swap3A, %swap3A_16], %add3A_15 {strides = array<i32>} : memref<4768x1xf32, #tpu.memory_space<vmem>>, vector<4768x1xf32>,
    %reduce_sum3A_18 = arith.constant dense<0.000000e+00> : vector<128xf32>
    %reduce_sum3A_19 = vector.multi_reduction <add>, %select_n3A, %reduce_sum3A_18 [0] : vector<4768x128xf32> to vector<128xf32>
    %broadcast_in_dim3A_20 = vector.shape_cast %reduce_sum3A_19 : vector<128xf32> to vector<1x128xf32>
    %max3A = arith.constant 1.000000e+00 : f32
    %max3A_21 = vector.broadcast %max3A : f32 to vector<1x128xf32>
    %max3A_22 = arith.maximumf %broadcast_in_dim3A_20, %max3A_21 : vector<1x128xf32>
    %rsqrt3A = math.rsqrt %max3A_22 : vector<1x128xf32>
    %transpose3A = tpu.transpose %rsqrt3A, [1, 0] : vector<1x128xf32> -> vector<128x1xf32>
    %mul3A_23 = arith.constant 128 : i32
    %mul3A_24 = arith.muli %arg0, %mul3A_23 : i32
    %iota3A_25 = tpu.iota {dimensions = array<i32: 0>} : vector<128x1xi32>
    %add3A_26 = vector.broadcast %mul3A_24 : i32 to vector<128x1xi32>
    %add3A_27 = arith.addi %add3A_26, %iota3A_25 : vector<128x1xi32>
    %lt3A_28 = arith.constant 847 : i32
    %lt3A_29 = vector.broadcast %lt3A_28 : i32 to vector<128x1xi32>
    %lt3A_30 = arith.cmpi slt, %add3A_27, %lt3A_29 : vector<128x1xi32>
    %get3A_31 = arith.constant 0 : index
    %get3A_32 = arith.constant 0 : index
    %get3A_33 = vector.load %arg2[%get3A_31, %get3A_32] : memref<128x256xf32, #tpu.memory_space<vmem>>, vector<128x256xf32>
    %mul3A_34 = vector.broadcast %transpose3A : vector<128x1xf32> to vector<128x256xf32>
    %mul3A_35 = arith.mulf %get3A_33, %mul3A_34 : vector<128x256xf32>
    %jit3A_36 = arith.constant 0.000000e+00 : f32
    %broadcast_in_dim3A_37 = vector.shape_cast %lt3A_30 : vector<128x1xi1> to vector<128x1xi1>
    %broadcast_in_dim3A_38 = vector.broadcast %broadcast_in_dim3A_37 : vector<128x1xi1> to vector<128x256xi1>
    %broadcast_in_dim3A_39 = vector.broadcast %jit3A_36 : f32 to vector<128x256xf32>
    %select_n3A_40 = arith.select %broadcast_in_dim3A_38, %mul3A_35, %broadcast_in_dim3A_39 : vector<128x256xi1>, vector<128x256xf32>
    %get3A_41 = arith.constant 0 : index
    %get3A_42 = arith.constant 0 : index
    %get3A_43 = vector.load %arg9[%get3A_41, %get3A_42] : memref<4768x256xf32, #tpu.memory_space<vmem>>, vector<4768x256xf32>
    %dot_general3A = arith.constant dense<0.000000e+00> : vector<4768x256xf32>
    %dot_general3A_44 = tpu.matmul %select_n3A, %select_n3A_40, %dot_general3A {dimension_numbers = #tpu.dot_dimension_numbers<[1], [0], [0], [1], [0, 0, 1, 1], [], []>, transpose_lhs_hint = false} : vector<4768x128xf32>, vector<128x256xf32>, vector<4768x256xf32> -> vector<4768x256xf32>
    %add3A_45 = arith.addf %get3A_43, %dot_general3A_44 : vector<4768x256xf32>
    %swap3A_46 = arith.constant 0 : index
    %swap3A_47 = arith.constant 0 : index
    %swap3A_48 = vector.load %arg9[%swap3A_46, %swap3A_47] : memref<4768x256xf32, #tpu.memory_space<vmem>>, vector<4768x256xf32>
    tpu.vector_store %arg9[%swap3A_46, %swap3A_47], %add3A_45 {strides = array<i32>} : memref<4768x256xf32, #tpu.memory_space<vmem>>, vector<4768x256xf32>,
    %eq3A_49 = arith.constant 6 : i32
    %eq3A_50 = arith.cmpi eq, %arg0, %eq3A_49 : i32
    %convert_element_type3A_51 = arith.extui %eq3A_50 : i1 to i32
    %cond3A_52 = arith.constant 0 : i32
    %cond3A_53 = arith.cmpi ne, %convert_element_type3A_51, %cond3A_52 : i32
    scf.if %cond3A_53 {
      %get3A_54 = arith.constant 0 : index
      %get3A_55 = arith.constant 0 : index
      %get3A_56 = vector.load %arg9[%get3A_54, %get3A_55] : memref<4768x256xf32, #tpu.memory_space<vmem>>, vector<4768x256xf32>
      %get3A_57 = arith.constant 0 : index
      %get3A_58 = arith.constant 0 : index
      %get3A_59 = vector.load %arg10[%get3A_57, %get3A_58] : memref<4768x1xf32, #tpu.memory_space<vmem>>, vector<4768x1xf32>
      %max3A_60 = arith.constant 1.000000e+00 : f32
      %max3A_61 = vector.broadcast %max3A_60 : f32 to vector<4768x1xf32>
      %max3A_62 = arith.maximumf %get3A_59, %max3A_61 : vector<4768x1xf32>
      %rsqrt3A_63 = math.rsqrt %max3A_62 : vector<4768x1xf32>
      %mul3A_64 = vector.broadcast %rsqrt3A_63 : vector<4768x1xf32> to vector<4768x256xf32>
      %mul3A_65 = arith.mulf %get3A_56, %mul3A_64 : vector<4768x256xf32>
      %get3A_66 = arith.constant 0 : index
      %get3A_67 = arith.constant 0 : index
      %get3A_68 = vector.load %arg3[%get3A_66, %get3A_67] : memref<256x256xf32, #tpu.memory_space<vmem>>, vector<256x256xf32>
      %dot_general3A_69 = arith.constant dense<0.000000e+00> : vector<4768x256xf32>
      %dot_general3A_70 = tpu.matmul %mul3A_65, %get3A_68, %dot_general3A_69 {dimension_numbers = #tpu.dot_dimension_numbers<[1], [0], [0], [1], [0, 0, 1, 1], [], []>, transpose_lhs_hint = false} : vector<4768x256xf32>, vector<256x256xf32>, vector<4768x256xf32> -> vector<4768x256xf32>
      %get3A_71 = arith.constant 0 : index
      %get3A_72 = arith.constant 0 : index
      %get3A_73 = vector.load %arg4[%get3A_71, %get3A_72] : memref<1x256xf32, #tpu.memory_space<vmem>>, vector<1x256xf32>
      %add3A_74 = vector.broadcast %get3A_73 : vector<1x256xf32> to vector<4768x256xf32>
      %add3A_75 = arith.addf %dot_general3A_70, %add3A_74 : vector<4768x256xf32>
      %max3A_76 = arith.constant 0.000000e+00 : f32
      %max3A_77 = vector.broadcast %max3A_76 : f32 to vector<4768x256xf32>
      %max3A_78 = arith.maximumf %add3A_75, %max3A_77 : vector<4768x256xf32>
      %swap3A_79 = arith.constant 0 : index
      %swap3A_80 = arith.constant 0 : index
      %swap3A_81 = vector.load %arg7[%swap3A_79, %swap3A_80] : memref<4768x256xf32, #tpu.memory_space<vmem>>, vector<4768x256xf32>
      tpu.vector_store %arg7[%swap3A_79, %swap3A_80], %max3A_78 {strides = array<i32>} : memref<4768x256xf32, #tpu.memory_space<vmem>>, vector<4768x256xf32>,
      %get3A_82 = arith.constant 0 : index
      %get3A_83 = arith.constant 0 : index
      %get3A_84 = vector.load %arg5[%get3A_82, %get3A_83] : memref<1x256xf32, #tpu.memory_space<vmem>>, vector<1x256xf32>
      %mul3A_85 = vector.broadcast %get3A_84 : vector<1x256xf32> to vector<4768x256xf32>
      %mul3A_86 = arith.mulf %max3A_78, %mul3A_85 : vector<4768x256xf32>
      %reduce_sum3A_87 = arith.constant dense<0.000000e+00> : vector<4768xf32>
      %reduce_sum3A_88 = vector.multi_reduction <add>, %mul3A_86, %reduce_sum3A_87 [1] : vector<4768x256xf32> to vector<4768xf32>
      %broadcast_in_dim3A_89 = vector.shape_cast %reduce_sum3A_88 : vector<4768xf32> to vector<4768x1xf32>
      %get3A_90 = arith.constant 0 : index
      %get3A_91 = memref.load %arg6[%get3A_90] : memref<1xf32, #tpu.memory_space<smem>>
      %add3A_92 = vector.broadcast %get3A_91 : f32 to vector<4768x1xf32>
      %add3A_93 = arith.addf %broadcast_in_dim3A_89, %add3A_92 : vector<4768x1xf32>
      %swap3A_94 = arith.constant 0 : index
      %swap3A_95 = arith.constant 0 : index
      %swap3A_96 = vector.load %arg8[%swap3A_94, %swap3A_95] : memref<4768x1xf32, #tpu.memory_space<vmem>>, vector<4768x1xf32>
      tpu.vector_store %arg8[%swap3A_94, %swap3A_95], %add3A_93 {strides = array<i32>} : memref<4768x1xf32, #tpu.memory_space<vmem>>, vector<4768x1xf32>,
    } else {
    }
    return
  }
  func.func @transform_0(%arg0: i32) -> (i32, i32) {
    %c0_i32 = arith.constant 0 : i32
    %c0_i32_0 = arith.constant 0 : i32
    return %c0_i32, %arg0 : i32, i32
  }
  func.func @transform_1(%arg0: i32) -> (i32, i32) {
    %c0_i32 = arith.constant 0 : i32
    %c0_i32_0 = arith.constant 0 : i32
    return %arg0, %c0_i32 : i32, i32
  }
  func.func @transform_2(%arg0: i32) -> (i32, i32) {
    %c0_i32 = arith.constant 0 : i32
    %c0_i32_0 = arith.constant 0 : i32
    %c0_i32_1 = arith.constant 0 : i32
    return %c0_i32, %c0_i32_0 : i32, i32
  }
  func.func @transform_3(%arg0: i32) -> (i32, i32) {
    %c0_i32 = arith.constant 0 : i32
    %c0_i32_0 = arith.constant 0 : i32
    %c0_i32_1 = arith.constant 0 : i32
    return %c0_i32, %c0_i32_0 : i32, i32
  }
  func.func @transform_4(%arg0: i32) -> (i32, i32) {
    %c0_i32 = arith.constant 0 : i32
    %c0_i32_0 = arith.constant 0 : i32
    %c0_i32_1 = arith.constant 0 : i32
    return %c0_i32, %c0_i32_0 : i32, i32
  }
  func.func @transform_5(%arg0: i32) -> i32 {
    %c0_i32 = arith.constant 0 : i32
    %c0_i32_0 = arith.constant 0 : i32
    return %c0_i32 : i32
  }
  func.func @transform_6(%arg0: i32) -> (i32, i32) {
    %c0_i32 = arith.constant 0 : i32
    %c0_i32_0 = arith.constant 0 : i32
    %c0_i32_1 = arith.constant 0 : i32
    return %c0_i32, %c0_i32_0 : i32, i32
  }
  func.func @transform_7(%arg0: i32) -> (i32, i32) {
    %c0_i32 = arith.constant 0 : i32
    %c0_i32_0 = arith.constant 0 : i32
    %c0_i32_1 = arith.constant 0 : i32
    return %c0_i32, %c0_i32_0 : i32, i32
  }
}

module attributes {stable_mosaic.version = 14 : i64} {
  func.func @_conv_body(%arg0: i32, %arg1: memref<864x128xf32, #tpu.memory_space<vmem>>, %arg2: memref<128x256xf32, #tpu.memory_space<vmem>>, %arg3: memref<256x256xf32, #tpu.memory_space<vmem>>, %arg4: memref<1x256xf32, #tpu.memory_space<vmem>>, %arg5: memref<1x256xf32, #tpu.memory_space<vmem>>, %arg6: memref<1xf32, #tpu.memory_space<smem>>, %arg7: memref<864x256xf32, #tpu.memory_space<vmem>>, %arg8: memref<864x1xf32, #tpu.memory_space<vmem>>, %arg9: memref<864x256xf32, #tpu.memory_space<vmem>>, %arg10: memref<864x1xf32, #tpu.memory_space<vmem>>) attributes {dimension_semantics = [#tpu.dimension_semantics<arbitrary>], iteration_bounds = array<i64: 38>, scalar_prefetch = 0 : i64, scratch_operands = 2 : i64, tpu.core_type = #tpu.core_type<tc>, window_params = [{transform_indices = @transform_0, window_bounds = array<i64: 864, 128>}, {transform_indices = @transform_1, window_bounds = array<i64: 128, 256>}, {pipeline_mode = #tpu.pipeline_mode<synchronous>, transform_indices = @transform_2, window_bounds = array<i64: 256, 256>}, {pipeline_mode = #tpu.pipeline_mode<synchronous>, transform_indices = @transform_3, window_bounds = array<i64: 1, 256>}, {pipeline_mode = #tpu.pipeline_mode<synchronous>, transform_indices = @transform_4, window_bounds = array<i64: 1, 256>}, {transform_indices = @transform_5, window_bounds = array<i64: 1>}, {pipeline_mode = #tpu.pipeline_mode<synchronous>, transform_indices = @transform_6, window_bounds = array<i64: 864, 256>}, {pipeline_mode = #tpu.pipeline_mode<synchronous>, transform_indices = @transform_7, window_bounds = array<i64: 864, 1>}]} {
    %eq3A = arith.constant 0 : i32
    %eq3A_0 = arith.cmpi eq, %arg0, %eq3A : i32
    %convert_element_type3A = arith.extui %eq3A_0 : i1 to i32
    %cond3A = arith.constant 0 : i32
    %cond3A_1 = arith.cmpi ne, %convert_element_type3A, %cond3A : i32
    scf.if %cond3A_1 {
      %broadcast_in_dim3A_54 = arith.constant 0.000000e+00 : f32
      %broadcast_in_dim3A_55 = vector.broadcast %broadcast_in_dim3A_54 : f32 to vector<864x256xf32>
      %swap3A_56 = arith.constant 0 : index
      %swap3A_57 = arith.constant 0 : index
      %swap3A_58 = vector.load %arg9[%swap3A_56, %swap3A_57] : memref<864x256xf32, #tpu.memory_space<vmem>>, vector<864x256xf32>
      tpu.vector_store %arg9[%swap3A_56, %swap3A_57], %broadcast_in_dim3A_55 {strides = array<i32>} : memref<864x256xf32, #tpu.memory_space<vmem>>, vector<864x256xf32>,
      %broadcast_in_dim3A_59 = arith.constant 0.000000e+00 : f32
      %broadcast_in_dim3A_60 = vector.broadcast %broadcast_in_dim3A_59 : f32 to vector<864x1xf32>
      %swap3A_61 = arith.constant 0 : index
      %swap3A_62 = arith.constant 0 : index
      %swap3A_63 = vector.load %arg10[%swap3A_61, %swap3A_62] : memref<864x1xf32, #tpu.memory_space<vmem>>, vector<864x1xf32>
      tpu.vector_store %arg10[%swap3A_61, %swap3A_62], %broadcast_in_dim3A_60 {strides = array<i32>} : memref<864x1xf32, #tpu.memory_space<vmem>>, vector<864x1xf32>,
    } else {
    }
    %get3A = arith.constant 0 : index
    %get3A_2 = arith.constant 0 : index
    %get3A_3 = vector.load %arg1[%get3A, %get3A_2] : memref<864x128xf32, #tpu.memory_space<vmem>>, vector<864x128xf32>
    %mul3A = arith.constant 128 : i32
    %mul3A_4 = arith.muli %arg0, %mul3A : i32
    %iota3A = tpu.iota {dimensions = array<i32: 1>} : vector<1x128xi32>
    %add3A = vector.broadcast %mul3A_4 : i32 to vector<1x128xi32>
    %add3A_5 = arith.addi %add3A, %iota3A : vector<1x128xi32>
    %lt3A = arith.constant 4762 : i32
    %lt3A_6 = vector.broadcast %lt3A : i32 to vector<1x128xi32>
    %lt3A_7 = arith.cmpi slt, %add3A_5, %lt3A_6 : vector<1x128xi32>
    %jit3A = arith.constant 0.000000e+00 : f32
    %broadcast_in_dim3A = vector.shape_cast %lt3A_7 : vector<1x128xi1> to vector<1x128xi1>
    %broadcast_in_dim3A_8 = vector.broadcast %broadcast_in_dim3A : vector<1x128xi1> to vector<864x128xi1>
    %broadcast_in_dim3A_9 = vector.broadcast %jit3A : f32 to vector<864x128xf32>
    %select_n3A = arith.select %broadcast_in_dim3A_8, %get3A_3, %broadcast_in_dim3A_9 : vector<864x128xi1>, vector<864x128xf32>
    %get3A_10 = arith.constant 0 : index
    %get3A_11 = arith.constant 0 : index
    %get3A_12 = vector.load %arg10[%get3A_10, %get3A_11] : memref<864x1xf32, #tpu.memory_space<vmem>>, vector<864x1xf32>
    %reduce_sum3A = arith.constant dense<0.000000e+00> : vector<864xf32>
    %reduce_sum3A_13 = vector.multi_reduction <add>, %select_n3A, %reduce_sum3A [1] : vector<864x128xf32> to vector<864xf32>
    %broadcast_in_dim3A_14 = vector.shape_cast %reduce_sum3A_13 : vector<864xf32> to vector<864x1xf32>
    %add3A_15 = arith.addf %get3A_12, %broadcast_in_dim3A_14 : vector<864x1xf32>
    %swap3A = arith.constant 0 : index
    %swap3A_16 = arith.constant 0 : index
    %swap3A_17 = vector.load %arg10[%swap3A, %swap3A_16] : memref<864x1xf32, #tpu.memory_space<vmem>>, vector<864x1xf32>
    tpu.vector_store %arg10[%swap3A, %swap3A_16], %add3A_15 {strides = array<i32>} : memref<864x1xf32, #tpu.memory_space<vmem>>, vector<864x1xf32>,
    %reduce_sum3A_18 = arith.constant dense<0.000000e+00> : vector<128xf32>
    %reduce_sum3A_19 = vector.multi_reduction <add>, %select_n3A, %reduce_sum3A_18 [0] : vector<864x128xf32> to vector<128xf32>
    %broadcast_in_dim3A_20 = vector.shape_cast %reduce_sum3A_19 : vector<128xf32> to vector<1x128xf32>
    %max3A = arith.constant 1.000000e+00 : f32
    %max3A_21 = vector.broadcast %max3A : f32 to vector<1x128xf32>
    %max3A_22 = arith.maximumf %broadcast_in_dim3A_20, %max3A_21 : vector<1x128xf32>
    %rsqrt3A = math.rsqrt %max3A_22 : vector<1x128xf32>
    %transpose3A = tpu.transpose %rsqrt3A, [1, 0] : vector<1x128xf32> -> vector<128x1xf32>
    %mul3A_23 = arith.constant 128 : i32
    %mul3A_24 = arith.muli %arg0, %mul3A_23 : i32
    %iota3A_25 = tpu.iota {dimensions = array<i32: 0>} : vector<128x1xi32>
    %add3A_26 = vector.broadcast %mul3A_24 : i32 to vector<128x1xi32>
    %add3A_27 = arith.addi %add3A_26, %iota3A_25 : vector<128x1xi32>
    %lt3A_28 = arith.constant 4762 : i32
    %lt3A_29 = vector.broadcast %lt3A_28 : i32 to vector<128x1xi32>
    %lt3A_30 = arith.cmpi slt, %add3A_27, %lt3A_29 : vector<128x1xi32>
    %get3A_31 = arith.constant 0 : index
    %get3A_32 = arith.constant 0 : index
    %get3A_33 = vector.load %arg2[%get3A_31, %get3A_32] : memref<128x256xf32, #tpu.memory_space<vmem>>, vector<128x256xf32>
    %mul3A_34 = vector.broadcast %transpose3A : vector<128x1xf32> to vector<128x256xf32>
    %mul3A_35 = arith.mulf %get3A_33, %mul3A_34 : vector<128x256xf32>
    %jit3A_36 = arith.constant 0.000000e+00 : f32
    %broadcast_in_dim3A_37 = vector.shape_cast %lt3A_30 : vector<128x1xi1> to vector<128x1xi1>
    %broadcast_in_dim3A_38 = vector.broadcast %broadcast_in_dim3A_37 : vector<128x1xi1> to vector<128x256xi1>
    %broadcast_in_dim3A_39 = vector.broadcast %jit3A_36 : f32 to vector<128x256xf32>
    %select_n3A_40 = arith.select %broadcast_in_dim3A_38, %mul3A_35, %broadcast_in_dim3A_39 : vector<128x256xi1>, vector<128x256xf32>
    %get3A_41 = arith.constant 0 : index
    %get3A_42 = arith.constant 0 : index
    %get3A_43 = vector.load %arg9[%get3A_41, %get3A_42] : memref<864x256xf32, #tpu.memory_space<vmem>>, vector<864x256xf32>
    %dot_general3A = arith.constant dense<0.000000e+00> : vector<864x256xf32>
    %dot_general3A_44 = tpu.matmul %select_n3A, %select_n3A_40, %dot_general3A {dimension_numbers = #tpu.dot_dimension_numbers<[1], [0], [0], [1], [0, 0, 1, 1], [], []>, transpose_lhs_hint = false} : vector<864x128xf32>, vector<128x256xf32>, vector<864x256xf32> -> vector<864x256xf32>
    %add3A_45 = arith.addf %get3A_43, %dot_general3A_44 : vector<864x256xf32>
    %swap3A_46 = arith.constant 0 : index
    %swap3A_47 = arith.constant 0 : index
    %swap3A_48 = vector.load %arg9[%swap3A_46, %swap3A_47] : memref<864x256xf32, #tpu.memory_space<vmem>>, vector<864x256xf32>
    tpu.vector_store %arg9[%swap3A_46, %swap3A_47], %add3A_45 {strides = array<i32>} : memref<864x256xf32, #tpu.memory_space<vmem>>, vector<864x256xf32>,
    %eq3A_49 = arith.constant 37 : i32
    %eq3A_50 = arith.cmpi eq, %arg0, %eq3A_49 : i32
    %convert_element_type3A_51 = arith.extui %eq3A_50 : i1 to i32
    %cond3A_52 = arith.constant 0 : i32
    %cond3A_53 = arith.cmpi ne, %convert_element_type3A_51, %cond3A_52 : i32
    scf.if %cond3A_53 {
      %get3A_54 = arith.constant 0 : index
      %get3A_55 = arith.constant 0 : index
      %get3A_56 = vector.load %arg9[%get3A_54, %get3A_55] : memref<864x256xf32, #tpu.memory_space<vmem>>, vector<864x256xf32>
      %get3A_57 = arith.constant 0 : index
      %get3A_58 = arith.constant 0 : index
      %get3A_59 = vector.load %arg10[%get3A_57, %get3A_58] : memref<864x1xf32, #tpu.memory_space<vmem>>, vector<864x1xf32>
      %max3A_60 = arith.constant 1.000000e+00 : f32
      %max3A_61 = vector.broadcast %max3A_60 : f32 to vector<864x1xf32>
      %max3A_62 = arith.maximumf %get3A_59, %max3A_61 : vector<864x1xf32>
      %rsqrt3A_63 = math.rsqrt %max3A_62 : vector<864x1xf32>
      %mul3A_64 = vector.broadcast %rsqrt3A_63 : vector<864x1xf32> to vector<864x256xf32>
      %mul3A_65 = arith.mulf %get3A_56, %mul3A_64 : vector<864x256xf32>
      %get3A_66 = arith.constant 0 : index
      %get3A_67 = arith.constant 0 : index
      %get3A_68 = vector.load %arg3[%get3A_66, %get3A_67] : memref<256x256xf32, #tpu.memory_space<vmem>>, vector<256x256xf32>
      %dot_general3A_69 = arith.constant dense<0.000000e+00> : vector<864x256xf32>
      %dot_general3A_70 = tpu.matmul %mul3A_65, %get3A_68, %dot_general3A_69 {dimension_numbers = #tpu.dot_dimension_numbers<[1], [0], [0], [1], [0, 0, 1, 1], [], []>, transpose_lhs_hint = false} : vector<864x256xf32>, vector<256x256xf32>, vector<864x256xf32> -> vector<864x256xf32>
      %get3A_71 = arith.constant 0 : index
      %get3A_72 = arith.constant 0 : index
      %get3A_73 = vector.load %arg4[%get3A_71, %get3A_72] : memref<1x256xf32, #tpu.memory_space<vmem>>, vector<1x256xf32>
      %add3A_74 = vector.broadcast %get3A_73 : vector<1x256xf32> to vector<864x256xf32>
      %add3A_75 = arith.addf %dot_general3A_70, %add3A_74 : vector<864x256xf32>
      %max3A_76 = arith.constant 0.000000e+00 : f32
      %max3A_77 = vector.broadcast %max3A_76 : f32 to vector<864x256xf32>
      %max3A_78 = arith.maximumf %add3A_75, %max3A_77 : vector<864x256xf32>
      %swap3A_79 = arith.constant 0 : index
      %swap3A_80 = arith.constant 0 : index
      %swap3A_81 = vector.load %arg7[%swap3A_79, %swap3A_80] : memref<864x256xf32, #tpu.memory_space<vmem>>, vector<864x256xf32>
      tpu.vector_store %arg7[%swap3A_79, %swap3A_80], %max3A_78 {strides = array<i32>} : memref<864x256xf32, #tpu.memory_space<vmem>>, vector<864x256xf32>,
      %get3A_82 = arith.constant 0 : index
      %get3A_83 = arith.constant 0 : index
      %get3A_84 = vector.load %arg5[%get3A_82, %get3A_83] : memref<1x256xf32, #tpu.memory_space<vmem>>, vector<1x256xf32>
      %mul3A_85 = vector.broadcast %get3A_84 : vector<1x256xf32> to vector<864x256xf32>
      %mul3A_86 = arith.mulf %max3A_78, %mul3A_85 : vector<864x256xf32>
      %reduce_sum3A_87 = arith.constant dense<0.000000e+00> : vector<864xf32>
      %reduce_sum3A_88 = vector.multi_reduction <add>, %mul3A_86, %reduce_sum3A_87 [1] : vector<864x256xf32> to vector<864xf32>
      %broadcast_in_dim3A_89 = vector.shape_cast %reduce_sum3A_88 : vector<864xf32> to vector<864x1xf32>
      %get3A_90 = arith.constant 0 : index
      %get3A_91 = memref.load %arg6[%get3A_90] : memref<1xf32, #tpu.memory_space<smem>>
      %add3A_92 = vector.broadcast %get3A_91 : f32 to vector<864x1xf32>
      %add3A_93 = arith.addf %broadcast_in_dim3A_89, %add3A_92 : vector<864x1xf32>
      %swap3A_94 = arith.constant 0 : index
      %swap3A_95 = arith.constant 0 : index
      %swap3A_96 = vector.load %arg8[%swap3A_94, %swap3A_95] : memref<864x1xf32, #tpu.memory_space<vmem>>, vector<864x1xf32>
      tpu.vector_store %arg8[%swap3A_94, %swap3A_95], %add3A_93 {strides = array<i32>} : memref<864x1xf32, #tpu.memory_space<vmem>>, vector<864x1xf32>,
    } else {
    }
    return
  }
  func.func @transform_0(%arg0: i32) -> (i32, i32) {
    %c0_i32 = arith.constant 0 : i32
    %c0_i32_0 = arith.constant 0 : i32
    return %c0_i32, %arg0 : i32, i32
  }
  func.func @transform_1(%arg0: i32) -> (i32, i32) {
    %c0_i32 = arith.constant 0 : i32
    %c0_i32_0 = arith.constant 0 : i32
    return %arg0, %c0_i32 : i32, i32
  }
  func.func @transform_2(%arg0: i32) -> (i32, i32) {
    %c0_i32 = arith.constant 0 : i32
    %c0_i32_0 = arith.constant 0 : i32
    %c0_i32_1 = arith.constant 0 : i32
    return %c0_i32, %c0_i32_0 : i32, i32
  }
  func.func @transform_3(%arg0: i32) -> (i32, i32) {
    %c0_i32 = arith.constant 0 : i32
    %c0_i32_0 = arith.constant 0 : i32
    %c0_i32_1 = arith.constant 0 : i32
    return %c0_i32, %c0_i32_0 : i32, i32
  }
  func.func @transform_4(%arg0: i32) -> (i32, i32) {
    %c0_i32 = arith.constant 0 : i32
    %c0_i32_0 = arith.constant 0 : i32
    %c0_i32_1 = arith.constant 0 : i32
    return %c0_i32, %c0_i32_0 : i32, i32
  }
  func.func @transform_5(%arg0: i32) -> i32 {
    %c0_i32 = arith.constant 0 : i32
    %c0_i32_0 = arith.constant 0 : i32
    return %c0_i32 : i32
  }
  func.func @transform_6(%arg0: i32) -> (i32, i32) {
    %c0_i32 = arith.constant 0 : i32
    %c0_i32_0 = arith.constant 0 : i32
    %c0_i32_1 = arith.constant 0 : i32
    return %c0_i32, %c0_i32_0 : i32, i32
  }
  func.func @transform_7(%arg0: i32) -> (i32, i32) {
    %c0_i32 = arith.constant 0 : i32
    %c0_i32_0 = arith.constant 0 : i32
    %c0_i32_1 = arith.constant 0 : i32
    return %c0_i32, %c0_i32_0 : i32, i32
  }
}

</mosaic_0001>

<sc_bundles>
// kernel: kernel.6.cloned.1.call-start
scs
__scs_entry_jumppad:
0x0: {  	(pc) =	sbr.rel $0x88, $3  }
0x1: {  	(tag) =	ssettag $0x0;
	lr =	simm.s32 $0x1  }
0x2: {  	[smem:$0x3F93] =	sst lr;
	_ =	strace $0xD0000000  }
0x3: {  	_ = 	snop  }
0x4: {  	_ = 	snop  }
0x5: {  	_ = 	snop  }
0x6: {  	_ = 	snop  }
0x7: {  	_ = 	snop  }
__scs_overlays_trampoline_lowered:
0x8: {  	[smem:$0x3FA2] =	sst s0  }
0x9: {  	[smem:$0x3FA3] =	sst s1  }
0xa: {  	[smem:$0x3FA4] =	sst s2  }
0xb: {  	[smem:$0x3FA5] =	sst s3  }
0xc: {  	[smem:$0x3FA6] =	sst s4  }
0xd: {  	[smem:$0x3FA7] =	sst s5  }
0xe: {  	[smem:$0x3FA8] =	sst s6  }
0xf: {  	[smem:$0x3FA9] =	sst s7  }
0x10: {  	[smem:$0x3FAA] =	sst s8  }
0x11: {  	[smem:$0x3FAB] =	sst s9;
	s0 =	simm.s32 @!p0 $0x0  }
0x12: {  	s1 =	sld [smem:$0x3F91];
	s0 =	simm.s32 @p0 $0x1  }
0x13: {  	[smem:$0x3FAC] =	sst s0;
	s0 =	simm.s32 @!p1 $0x0  }
0x14: {  	s2 =	sld [smem:$0x3F90];
	s0 =	simm.s32 @p1 $0x1  }
0x15: {  	[smem:$0x3FAD] =	sst s0;
	s0 =	simm.s32 @!p2 $0x0  }
0x16: {  	s3 =	sld [smem:$0x3FDB];
	s0 =	simm.s32 @p2 $0x1  }
0x17: {  	s4 =	simm.s32 $0x1BF5;
	[smem:$0x3FAF] =	sst s0  }
0x18: {  	s0 =	sld [smem:$0x3F92];
	_ =	swait.ge [sflag:s4], $0x0  }
0x19: {  	s7 =	sld [smem:$0x3F93]  }
0x1a: {  	s8 =	sadd.s32 $0xFFFFE003, lr  }
0x1b: {  	s9 =	sadd.s32 $0xFFFFFEF7, lr;
	s5 =	simm.s32 $0xFFFFFFFF;
	p2 =	slt.u32 s8, $0xFFFFF086  }
0x1c: {  	p1 =	slt.u32 s9, $0xF7A;
	s5 =	simm.s32 @!p2 $0x0  }
0x1d: {  	s5 =	simm.s32 @p1 $0x1;
	p0 =	seq.s32 s7, s2  }
0x1e: {  	s7 =	smul.u32 @!p0 $0xF7A, s2;
	p2 =	seq.s32 @!p0 s5, $0x0  }
0x1f: {  	s9 =	smul.u32 $0xF7A, s1;
	s8 =	simm.s32 @!p0 $0x1BF5;
	p2 =	por !p2, p0  }
0x20: {  	[sflag:s8] =	ssyncset.s32 @!p0 $0xFFFFF086;
	s6 =	sadd.s32 @!p0 s3, s7;
	s7 =	simm.s32 @!p0 $0x108  }
0x21: {  	s3 =	sadd.s32 s3, s9;
	s6 =	sadd.s32 @!p0 $0x88, s6;
	s7 =	simm.s32 @p2 $0x1082  }
0x22: {  	[simem:s7], [sflag:s8] =	dma.local @!p0 [hbm:s6], $0xF7A  }
0x23: {  	s9 =	sor.u32 $0xD0000000, s2;
	s6 =	simm.s32 $0x108;
	_ =	swait.ge @!p0 [sflag:s8], $0x0  }
0x24: {  	s3 =	sadd.s32 $0x88, s3;
	s6 =	simm.s32 @!p1 $0x1082;
	[sflag:s4] =	ssyncset.s32 $0xFFFFF086  }
0x25: {  	[simem:s6], [sflag:s4] =	dma.local [hbm:s3], $0xF7A  }
0x26: {  	[smem:$0x3F93] =	sst s1;
	(tag) =	ssettag s2;
	_ =	strace s9  }
0x27: {  	s1 =	sld [smem:$0x3FA3]  }
0x28: {  	s2 =	sld [smem:$0x3FA4]  }
0x29: {  	s4 =	sld [smem:$0x3FA6]  }
0x2a: {  	p0 =	seq.s32 s5, $0x0;
	s5 =	sld [smem:$0x3FA7]  }
0x2b: {  	s6 =	sld [smem:$0x3FA8]  }
0x2c: {  	s7 =	sld [smem:$0x3FA9]  }
0x2d: {  	s3 =	simm.s32 $0x108;
	s8 =	sld [smem:$0x3FAA]  }
0x2e: {  	s3 =	simm.s32 @!p0 $0x1082;
	s9 =	sld [smem:$0x3FAB]  }
0x2f: {  	lr =	sadd.s32 s0, s3;
	s0 =	sld [smem:$0x3FA2]  }
0x30: {  	s3 =	sld [smem:$0x3FA5]  }
0x31: {  	[smem:$0x3FAE] =	sst s10  }
0x32: {  	s10 =	sld [smem:$0x3FAC];
	_ =	sdelay $0x3  }
0x33: {  	p0 =	seq.s32 s10, $0x1;
	s10 =	sld [smem:$0x3FAE];
	_ =	sdelay $0x3  }
0x34: {  	[smem:$0x3FAE] =	sst s10  }
0x35: {  	s10 =	sld [smem:$0x3FAD];
	_ =	sdelay $0x3  }
0x36: {  	p1 =	seq.s32 s10, $0x1;
	s10 =	sld [smem:$0x3FAE];
	_ =	sdelay $0x3  }
0x37: {  	[smem:$0x3FAE] =	sst s10  }
0x38: {  	s10 =	sld [smem:$0x3FAF]  }
0x39: {  	_ = 	snop;
	(pc) =	sbr.ind lr, $3  }
0x3a: {  	_ = 	snop  }
0x3b: {  	_ = 	snop  }
0x3c: {  	p2 =	seq.s32 s10, $0x1;
	s10 =	sld [smem:$0x3FAE]  }
0x3d: {  	_ =	shalt  }
0x3e: {  	_ =	shalt  }
0x3f: {  	_ =	shalt  }
0x40: {  	_ =	shalt  }
0x41: {  	_ =	shalt  }
0x42: {  	_ =	shalt  }
0x43: {  	_ =	shalt  }
0x44: {  	_ =	shalt  }
0x45: {  	_ =	shalt  }
0x46: {  	_ =	shalt  }
0x47: {  	_ =	shalt  }
0x48: {  	_ =	shalt  }
0x49: {  	_ =	shalt  }
0x4a: {  	_ =	shalt  }
0x4b: {  	_ =	shalt  }
0x4c: {  	_ =	shalt  }
0x4d: {  	_ =	shalt  }
0x4e: {  	_ =	shalt  }
0x4f: {  	_ =	shalt  }
0x50: {  	_ =	shalt  }
0x51: {  	_ =	shalt  }
0x52: {  	_ =	shalt  }
0x53: {  	_ =	shalt  }
0x54: {  	_ =	shalt  }
0x55: {  	_ =	shalt  }
0x56: {  	_ =	shalt  }
0x57: {  	_ =	shalt  }
0x58: {  	_ =	shalt  }
0x59: {  	_ =	shalt  }
0x5a: {  	_ =	shalt  }
0x5b: {  	_ =	shalt  }
0x5c: {  	_ =	shalt  }
0x5d: {  	_ =	shalt  }
0x5e: {  	_ =	shalt  }
0x5f: {  	_ =	shalt  }
0x60: {  	_ =	shalt  }
0x61: {  	_ =	shalt  }
0x62: {  	_ =	shalt  }
0x63: {  	_ =	shalt  }
0x64: {  	_ =	shalt  }
0x65: {  	_ =	shalt  }
0x66: {  	_ =	shalt  }
0x67: {  	_ =	shalt  }
0x68: {  	_ =	shalt  }
0x69: {  	_ =	shalt  }
0x6a: {  	_ =	shalt  }
0x6b: {  	_ =	shalt  }
0x6c: {  	_ =	shalt  }
0x6d: {  	_ =	shalt  }
0x6e: {  	_ =	shalt  }
0x6f: {  	_ =	shalt  }
0x70: {  	_ =	shalt  }
0x71: {  	_ =	shalt  }
0x72: {  	_ =	shalt  }
0x73: {  	_ =	shalt  }
0x74: {  	_ =	shalt  }
0x75: {  	_ =	shalt  }
0x76: {  	_ =	shalt  }
0x77: {  	_ =	shalt  }
0x78: {  	_ =	shalt  }
0x79: {  	_ =	shalt  }
0x7a: {  	_ =	shalt  }
0x7b: {  	_ =	shalt  }
0x7c: {  	_ =	shalt  }
0x7d: {  	_ =	shalt  }
0x7e: {  	_ =	shalt  }
0x7f: {  	_ =	shalt  }
0x80: {  	_ =	shalt  }
0x81: {  	_ =	shalt  }
0x82: {  	_ =	shalt  }
0x83: {  	_ =	shalt  }
0x84: {  	_ =	shalt  }
0x85: {  	_ =	shalt  }
0x86: {  	_ =	shalt  }
0x87: {  	_ =	shalt  }
.Lfunc_end0:
.L_simem_size_0:
called_computation_lowered:
.L_overlay_start_0:
0x88: {  	s2 =	sld [smem:$0x3FD9]  }
0x89: {  	s3 =	sld [smem:$0x3FFE];
	_ =	sdelay $0x1  }
0x8a: {  	s1 =	srdreg.scid  }
0x8b: {  	s0 =	sand.u32 $0x1, s1  }
0x8c: {  	s17 =	sshll.u32 s0, $0xA;
	s2 =	sadd.s32 s3, s2  }
0x8d: {  	s2 =	sadd.s32 s2, s17  }
0x8e: {  	[smem:$0x3FBA] =	sst s2  }
0x8f: {  	_ = 	snop  }
0x90: {  	s2 =	sld [smem:$0x3FC9]  }
0x91: {  	s18 =	sld [smem:$0x3FC8]  }
0x92: {  	s4 =	sld [smem:$0x3FC7]  }
0x93: {  	s5 =	sld [smem:$0x3FC6];
	(tm) =	ssettm $0x1  }
0x94: {  	s6 =	sld [smem:$0x3FFB];
	_ =	sdelay $0x3  }
0x95: {  	_ =	strace s6  }
0x96: {  	s6 =	sld [smem:$0x3FFC];
	_ =	sdelay $0x3  }
0x97: {  	_ =	strace s6  }
0x98: {  	s6 =	sld [smem:$0x3FFD];
	_ =	sdelay $0x3  }
0x99: {  	_ =	strace s6  }
0x9a: {  	_ =	strace $0x8FFFFFFF  }
0x9b: {  	s19 =	sld [smem:$0x3FDB];
	_ =	sdelay $0x1  }
0x9c: {  	s7 =	simm.s32 $_scs_section_size  }
0x9d: {  	s8 =	simm.s32 $_size__tile_overlayer_lowered;
	s9 =	simm.s32 $_tile_overlayer_lowered  }
0x9e: {  	s22 =	simm.s32 $0x1BFF;
	s21 =	sshll.u32 s9, $0x1;
	s6 =	sadd.s32 s7, s19  }
0x9f: {  	s10 =	simm.s32 $0x0;
	s20 =	sshll.u32 s8, $0x1;
	s8 =	sadd.s32 s21, s6  }
0xa0: {  	[timem:s10], [sflag:s22] =	dma.local [hbm:s8], s20  }
0xa1: {  	_ =	swait.ge [sflag:s22], s20  }
0xa2: {  	s7 =	ssub.s32 $0x0, s20;
	[sflag:s22] =	ssyncset.done $0x0  }
0xa3: {  	[sflag:s22] =	ssyncadd.s32 s7;
	_ =	sdelay $0x1  }
0xa4: {  	s23 =	simm.s32 $0x1B8B  }
0xa5: {  	_ =	swait.ge [sflag:s23], $0x1  }
0xa6: {  	[sflag:s23] =	ssyncset.done $0x0  }
0xa7: {  	s25 =	simm.s32 $0x1B8E;
	s24 =	sld [smem:$0x3FFE];
	[sflag:s23] =	ssyncadd.s32 $0xFFFFFFFF  }
0xa8: {  	s26 =	simm.s32 $execute0_lowered;
	[smem:$0x3FD2] =	sst s25  }
0xa9: {  	s8 =	sshll.u32 s26, $0x1;
	_ =	strace $0x80000046;
	[dreg:$0x1] =	wrdreg $0xFFFFFFFF  }
0xaa: {  	s28 =	simm.s32 $_size_execute0_lowered;
	s6 =	sadd.s32 s6, s8;
	[dreg:$0x0] =	wrdreg $0x0  }
0xab: {  	s8 =	sshll.u32 s28, $0x1;
	[dreg:$0x2] =	wrdreg s6  }
0xac: {  	[dreg:$0x3] =	wrdreg s8  }
0xad: {  	[dreg:$0x4] =	wrdreg $0xC0  }
0xae: {  	_ =	task [dreg:s10], $0x5FFFF  }
0xaf: {  	[dreg:$0x1] =	wrdreg $0xFFFFFFFF  }
0xb0: {  	[dreg:$0x0] =	wrdreg $0x60  }
0xb1: {  	[dreg:$0x2] =	wrdreg s2  }
0xb2: {  	[dreg:$0x3] =	wrdreg s18  }
0xb3: {  	[dreg:$0x4] =	wrdreg s4  }
0xb4: {  	[dreg:$0x5] =	wrdreg s5  }
0xb5: {  	[dreg:$0x6] =	wrdreg s24  }
0xb6: {  	[dreg:$0x7] =	wrdreg $0x9  }
0xb7: {  	_ =	task.clear_ibuf [dreg:s10], $0x8FFFF;
	_ =	strace $0x90000046  }
0xb8: {  	s29 =	simm.s32 $0x9;
	_ =	strace $0x80000048  }
0xb9: {  	_ =	swait.ge [sflag:s29], $0x1  }
0xba: {  	[sflag:s29] =	ssyncadd.s32 $0xFFFFFFFF  }
0xbb: {  	_ =	strace $0x90000048  }
0xbc: {  	_ =	sfence  }
0xbd: {  	s30 =	sld [smem:$0x0];
	_ =	sdelay $0x2  }
0xbe: {  	s31 =	sshll.u32 s1, $0xD;
	s1 =	sshrl.u32 s1, $0x2  }
0xbf: {  	s3 =	sand.u32 $0x4000, s31;
	s1 =	sadd.s32 s1, s30  }
0xc0: {  	s0 =	sor.u32 s3, s0;
	s1 =	sshll.u32 s1, $0x11  }
0xc1: {  	s0 =	sor.u32 s1, s0  }
0xc2: {  	s0 =	sadd.s32 $0x8F2B, s0  }
0xc3: {  	[sflag:s0] =	ssyncadd.remote.s32 $0x1  }
0xc4: {  	_ =	sfence.sel $0xFFFF  }
0xc5: {  	[dreg:$0x0] =	wrdreg $0xFFFFFFFF;
	(pc) =	sbr.abs _section_cstart, $3  }
0xc6: {  	[dreg:$0x1] =	wrdreg $0xFFFFFFFF  }
0xc7: {  	_ =	task.clear_ibuf [dreg:s10], $0x2FFFF;
	_ =	strace $0x9FFFFFFF  }
0xc8: {  	(tm) =	ssettm $0x7FFFFFFF  }
0xc9: {  	_ =	shalt  }
tec
execute0_lowered:
.L_overlay_start_1:
0x0: {  	(tag) =	ssettag $0x1  }
0x1: {  	s1 =	rddreg [dreg:$0x0]  }
0x2: {  	s2 =	rddreg [dreg:$0x1]  }
0x3: {  	s4 =	srdreg.scid;
	s0 =	stileid.u32  }
0x4: {  	s3 =	rddreg [dreg:$0x2];
	s7 =	sand.u32 $0x1, s4;
	s29 =	sshll.u32 s0, $0x1  }
0x5: {  	s5 =	rddreg [dreg:$0x3];
	s8 =	sor.u32 s7, s29  }
0x6: {  	s9 =	rddreg [dreg:$0x4];
	s10 =	smul.u32 $0x3EC8, s8  }
0x7: {  	s6 =	simm.s32 $0x0;
	s4 =	rddreg [dreg:$0x5];
	s11 =	smul.u32 $0x3DA0, s8  }
0x8: {  	[smem:$0x7FF] =	sst s6;
	s7 =	ssub.s32 $0x2, s7;
	s12 =	smul.u32 $0x1B, s8  }
0x9: {  	_ =	strace $0x80000047;
	s13 =	sshrl.u32 s7, $0x1;
	s8 =	smul.u32 $0x95, s8  }
0xa: {  	s30 =	ssub.s32 s7, s13;
	s13 =	simm.s32 $0x0;
	s10 =	sadd.s32 s10, s9  }
0xb: {  	s9 =	sadd.s32 s11, s9;
	s31 =	sadd.s32 $0x1B, s12;
	s14 =	sadd.s32 $0x95, s8  }
0xc: {  	v4 =	vimm.f32 $0.0e+00;
	v5 =	vimm.f32 $1.000000000e+00;
	v0 =	vmov s12;
	s11 =	simm.s32 $0x1;
	s12 =	simm.s32 $0x1F880;
	s7 =	sadd.s32 $0x7CE00, s10  }
0xd: {  	v2 =	vmov s8;
	v1 =	vmov s31;
	s8 =	sadd.s32 $0x1A00, s9;
	s9 =	smax.u32 s30, $0x1;
	s10 =	simm.s32 $0x1F680;
	v3 =	vmov s14  }
.LBB2_1:
0xe: {  	s14 =	simm.s32 $0x40;
	s15 =	simm.s32 $0x0  }
.LBB2_2:
0xf: {  	p0 =	sne.s32 s14, $0x7D8C0;
	[tilespmem:s15+$0x0] =	vst v4;
	s15 =	smov.u32 s14;
	s14 =	sadd.s32 $0x40, s14  }
.Ltmp0:
0x10: {  	(pc) =	sbr.rel @p0 .LBB2_2-.Ltmp0, $2  }
0x11: {  	_ =	sdelay $0x2  }
0x12: {  	s15 =	sshra.s32 s15, $0x2  }
0x13: {  	[tilespmem:s15+$0x0] =	vst v4;
	s14 =	simm.s32 $0x0;
	s15 =	simm.s32 $0x0  }
.LBB2_4:
0x14: {  	s16 =	smul.u32 $0x32, s15;
	_ =	sdelay $0x1  }
0x15: {  	s17 =	sadd.s32 s1, s16  }
0x16: {  	[tilespmem:s10], [sflag:$0x1] =	stream.linear.gather [hbm4b:s17+s14], $0x190, $0x38;
	[tilespmem:$0x1FA80] =	vst v63  }
0x17: {  	_ =	swait.ge [sflag:s11], $0x190  }
0x18: {  	[sflag:s11] =	ssyncset.done $0x0  }
0x19: {  	s16 =	sadd.s32 s2, s16;
	[sflag:s11] =	ssyncadd.s32 $0xFFFFFE70  }
0x1a: {  	[tilespmem:s12], [sflag:$0x1] =	stream.linear.gather [hbm4b:s16+s14], $0x190, $0x38;
	[tilespmem:$0x1FA80] =	vst v63  }
0x1b: {  	_ =	swait.ge [sflag:s11], $0x190  }
0x1c: {  	[sflag:s11] =	ssyncset.done $0x0  }
0x1d: {  	s17 =	simm.s32 $0x0;
	s16 =	simm.s32 $0x40;
	[sflag:s11] =	ssyncadd.s32 $0xFFFFFE70  }
.LBB2_5:
0x1e: {  	p0 =	sne.s32 s16, $0x600;
	v6 =	vld [tilespmem:s17+$0x1F880];
	_ =	sdelay $0x2  }
0x1f: {  	v7 =	vld [tilespmem:s17+$0x1F680];
	_ =	sdelay $0x1  }
0x20: {  	v8 =	vsub.s32 v6, v0  }
0x21: {  	vm0 =	vge.s32 v6, v0;
	vm1 =	vlt.s32 v6, v1;
	v6 =	vmul.u32 $0x129A, v8  }
0x22: {  	vm0 =	vmand vm0, vm1  }
0x23: {  	v6 =	vadd.s32 v7, v6  }
.Ltmp1:
0x24: {  	(pc) =	sbr.rel @p0 .LBB2_5-.Ltmp1, $2  }
0x25: {  	_ =	sdelay $0x2  }
0x26: {  	s17 =	sshra.s32 s16, $0x2;
	s16 =	sadd.s32 $0x40, s16;
	[tilespmem:v6+s6+$0x0] =	vst.idx.add.f32.msk vm0, v5  }
0x27: {  	v6 =	vld [tilespmem:s17+$0x1F880];
	_ =	sdelay $0x2  }
0x28: {  	v7 =	vld [tilespmem:s17+$0x1F680];
	_ =	sdelay $0x1  }
0x29: {  	v8 =	vsub.s32 v6, v0  }
0x2a: {  	vm0 =	vge.s32 v6, v0;
	vm1 =	vlt.s32 v6, v1;
	v6 =	vmul.u32 $0x129A, v8  }
0x2b: {  	s15 =	sadd.s32 $0x1, s15;
	vm0 =	vmand vm0, vm1  }
0x2c: {  	p0 =	sne.s32 s15, $0x177;
	v6 =	vadd.s32 v7, v6  }
.Ltmp2:
0x2d: {  	_ = 	snop;
	(pc) =	sbr.rel @p0 .LBB2_4-.Ltmp2, $2  }
0x2e: {  	_ =	sdelay $0x2  }
0x2f: {  	[tilespmem:v6+s6+$0x0] =	vst.idx.add.f32.msk vm0, v5  }
0x30: {  	s14 =	simm.s32 $0x0  }
0x31: {  	[hbm4b:s7+s14] =	stream.linear.scatter [tilespmem:s14], [sflag:$0x1], $0x1F640, $0x38;
	[tilespmem:$0x1FA80] =	vst v63  }
0x32: {  	_ =	swait.ge [sflag:s11], $0x1F640  }
0x33: {  	[sflag:s11] =	ssyncset.done $0x0  }
0x34: {  	s15 =	simm.s32 $0x40;
	s16 =	simm.s32 $0x0;
	[sflag:s11] =	ssyncadd.s32 $0xFFFE09C0  }
.LBB2_8:
0x35: {  	p0 =	sne.s32 s15, $0x7D8C0;
	[tilespmem:s16+$0x0] =	vst v4;
	s16 =	smov.u32 s15;
	s15 =	sadd.s32 $0x40, s15  }
.Ltmp3:
0x36: {  	(pc) =	sbr.rel @p0 .LBB2_8-.Ltmp3, $2  }
0x37: {  	_ =	sdelay $0x2  }
0x38: {  	s16 =	sshra.s32 s16, $0x2  }
0x39: {  	[tilespmem:s16+$0x0] =	vst v4  }
.LBB2_10:
0x3a: {  	s15 =	smul.u32 $0x32, s14;
	_ =	sdelay $0x1  }
0x3b: {  	s17 =	simm.s32 $0x0;
	s16 =	sadd.s32 s3, s15  }
0x3c: {  	[tilespmem:s10], [sflag:$0x1] =	stream.linear.gather [hbm4b:s16+s17], $0x190, $0x38;
	[tilespmem:$0x1FA80] =	vst v63  }
0x3d: {  	_ =	swait.ge [sflag:s11], $0x190  }
0x3e: {  	[sflag:s11] =	ssyncset.done $0x0  }
0x3f: {  	s15 =	sadd.s32 s5, s15;
	[sflag:s11] =	ssyncadd.s32 $0xFFFFFE70  }
0x40: {  	[tilespmem:s12], [sflag:$0x1] =	stream.linear.gather [hbm4b:s15+s17], $0x190, $0x38;
	[tilespmem:$0x1FA80] =	vst v63  }
0x41: {  	_ =	swait.ge [sflag:s11], $0x190  }
0x42: {  	[sflag:s11] =	ssyncset.done $0x0  }
0x43: {  	s16 =	simm.s32 $0x0;
	s15 =	simm.s32 $0x40;
	[sflag:s11] =	ssyncadd.s32 $0xFFFFFE70  }
.LBB2_11:
0x44: {  	p0 =	sne.s32 s15, $0x600;
	v6 =	vld [tilespmem:s16+$0x1F880];
	_ =	sdelay $0x2  }
0x45: {  	v7 =	vld [tilespmem:s16+$0x1F680];
	_ =	sdelay $0x1  }
0x46: {  	v8 =	vsub.s32 v6, v2  }
0x47: {  	vm0 =	vge.s32 v6, v2;
	vm1 =	vlt.s32 v6, v3;
	v6 =	vmul.u32 $0x34F, v8  }
0x48: {  	vm0 =	vmand vm0, vm1  }
0x49: {  	v6 =	vadd.s32 v7, v6  }
.Ltmp4:
0x4a: {  	(pc) =	sbr.rel @p0 .LBB2_11-.Ltmp4, $2  }
0x4b: {  	_ =	sdelay $0x2  }
0x4c: {  	s16 =	sshra.s32 s15, $0x2;
	s15 =	sadd.s32 $0x40, s15;
	[tilespmem:v6+s6+$0x0] =	vst.idx.add.f32.msk vm0, v5  }
0x4d: {  	v6 =	vld [tilespmem:s16+$0x1F880];
	_ =	sdelay $0x2  }
0x4e: {  	v7 =	vld [tilespmem:s16+$0x1F680];
	_ =	sdelay $0x1  }
0x4f: {  	v8 =	vsub.s32 v6, v2  }
0x50: {  	vm0 =	vge.s32 v6, v2;
	vm1 =	vlt.s32 v6, v3;
	v6 =	vmul.u32 $0x34F, v8  }
0x51: {  	s14 =	sadd.s32 $0x1, s14;
	vm0 =	vmand vm0, vm1  }
0x52: {  	p0 =	sne.s32 s14, $0x177;
	v6 =	vadd.s32 v7, v6  }
.Ltmp5:
0x53: {  	_ = 	snop;
	(pc) =	sbr.rel @p0 .LBB2_10-.Ltmp5, $2  }
0x54: {  	_ =	sdelay $0x2  }
0x55: {  	[tilespmem:v6+s6+$0x0] =	vst.idx.add.f32.msk vm0, v5  }
0x56: {  	s13 =	sadd.s32 $0x1, s13  }
0x57: {  	p0 =	sne.s32 s13, s9  }
.Ltmp6:
0x58: {  	_ = 	snop;
	(pc) =	sbr.rel @p0 .LBB2_1-.Ltmp6, $4  }
0x59: {  	[hbm4b:s8+s6] =	stream.linear.scatter [tilespmem:s6], [sflag:$0x1], $0x1ED00, $0x38;
	[tilespmem:$0x1FA80] =	vst v63  }
0x5a: {  	_ =	swait.ge [sflag:s11], $0x1ED00  }
0x5b: {  	[sflag:s11] =	ssyncset.done $0x0  }
0x5c: {  	[sflag:s11] =	ssyncadd.s32 $0xFFFE1300  }
0x5d: {  	_ =	sfence.sel $0x180000  }
0x5e: {  	[bflag:$0x0] =	sbarrier.arrive $0xFFFF  }
0x5f: {  	p0 =	sne.s32 s0, $0x0;
	_ =	strace $0x90000047  }
0x60: {  	s0 =	sadd.s32 @!p0 $0x100000, s4;
	[bflag:$0x2] =	sbarrier.arrive $0xFFFF  }
0x61: {  	[sflag:s0] =	ssyncadd.tile.s32 @!p0 $0x1;
	_ =	shalt  }
.Lfunc_end2:
_tile_overlayer_lowered:
.L_overlay_start_2:
0x62: {  	(tag) =	ssettag $0x2  }
0x63: {  	s0 =	rddreg [dreg:$0x0];
	s2 =	stileid.u32  }
0x64: {  	s1 =	rddreg [dreg:$0x1];
	p0 =	sne.s32 s2, $0x0  }
0x65: {  	s3 =	rddreg [dreg:$0x2];
	[bflag:$0x3] =	sbarrier.arrive $0xFFFF;
	s2 =	simm.s32 @!p0 $0x1C01  }
0x66: {  	[timem:s3], [sflag:s2] =	dma.local @!p0 [hbm:s0], s1  }
0x67: {  	s0 =	simm.s32 @!p0 $0x1  }
0x68: {  	_ =	swait.ge @!p0 [sflag:s0], s1  }
0x69: {  	s1 =	ssub.s32 @!p0 $0x0, s1;
	[sflag:s0] =	ssyncset.done @!p0 $0x0  }
0x6a: {  	[sflag:s0] =	ssyncadd.s32 @!p0 s1  }
0x6b: {  	[bflag:$0x3] =	sbarrier.arrive $0xFFFF  }
0x6c: {  	_ =	shalt  }

// kernel: kernel.9.cloned.1.call-start
scs
__scs_entry_jumppad:
0x0: {  	(pc) =	sbr.rel $0x88, $3  }
0x1: {  	(tag) =	ssettag $0x0;
	lr =	simm.s32 $0x1  }
0x2: {  	[smem:$0x3F93] =	sst lr;
	_ =	strace $0xD0000000  }
0x3: {  	_ = 	snop  }
0x4: {  	_ = 	snop  }
0x5: {  	_ = 	snop  }
0x6: {  	_ = 	snop  }
0x7: {  	_ = 	snop  }
__scs_overlays_trampoline_lowered:
0x8: {  	[smem:$0x3FA2] =	sst s0  }
0x9: {  	[smem:$0x3FA3] =	sst s1  }
0xa: {  	[smem:$0x3FA4] =	sst s2  }
0xb: {  	[smem:$0x3FA5] =	sst s3  }
0xc: {  	[smem:$0x3FA6] =	sst s4  }
0xd: {  	[smem:$0x3FA7] =	sst s5  }
0xe: {  	[smem:$0x3FA8] =	sst s6  }
0xf: {  	[smem:$0x3FA9] =	sst s7  }
0x10: {  	[smem:$0x3FAA] =	sst s8  }
0x11: {  	[smem:$0x3FAB] =	sst s9;
	s0 =	simm.s32 @!p0 $0x0  }
0x12: {  	s1 =	sld [smem:$0x3F91];
	s0 =	simm.s32 @p0 $0x1  }
0x13: {  	[smem:$0x3FAC] =	sst s0;
	s0 =	simm.s32 @!p1 $0x0  }
0x14: {  	s2 =	sld [smem:$0x3F90];
	s0 =	simm.s32 @p1 $0x1  }
0x15: {  	[smem:$0x3FAD] =	sst s0;
	s0 =	simm.s32 @!p2 $0x0  }
0x16: {  	s3 =	sld [smem:$0x3FDB];
	s0 =	simm.s32 @p2 $0x1  }
0x17: {  	s4 =	simm.s32 $0x1BF5;
	[smem:$0x3FAF] =	sst s0  }
0x18: {  	s0 =	sld [smem:$0x3F92];
	_ =	swait.ge [sflag:s4], $0x0  }
0x19: {  	s7 =	sld [smem:$0x3F93]  }
0x1a: {  	s8 =	sadd.s32 $0xFFFFE003, lr  }
0x1b: {  	s9 =	sadd.s32 $0xFFFFFEF7, lr;
	s5 =	simm.s32 $0xFFFFFFFF;
	p2 =	slt.u32 s8, $0xFFFFF086  }
0x1c: {  	p1 =	slt.u32 s9, $0xF7A;
	s5 =	simm.s32 @!p2 $0x0  }
0x1d: {  	s5 =	simm.s32 @p1 $0x1;
	p0 =	seq.s32 s7, s2  }
0x1e: {  	s7 =	smul.u32 @!p0 $0xF7A, s2;
	p2 =	seq.s32 @!p0 s5, $0x0  }
0x1f: {  	s9 =	smul.u32 $0xF7A, s1;
	s8 =	simm.s32 @!p0 $0x1BF5;
	p2 =	por !p2, p0  }
0x20: {  	[sflag:s8] =	ssyncset.s32 @!p0 $0xFFFFF086;
	s6 =	sadd.s32 @!p0 s3, s7;
	s7 =	simm.s32 @!p0 $0x108  }
0x21: {  	s3 =	sadd.s32 s3, s9;
	s6 =	sadd.s32 @!p0 $0x88, s6;
	s7 =	simm.s32 @p2 $0x1082  }
0x22: {  	[simem:s7], [sflag:s8] =	dma.local @!p0 [hbm:s6], $0xF7A  }
0x23: {  	s9 =	sor.u32 $0xD0000000, s2;
	s6 =	simm.s32 $0x108;
	_ =	swait.ge @!p0 [sflag:s8], $0x0  }
0x24: {  	s3 =	sadd.s32 $0x88, s3;
	s6 =	simm.s32 @!p1 $0x1082;
	[sflag:s4] =	ssyncset.s32 $0xFFFFF086  }
0x25: {  	[simem:s6], [sflag:s4] =	dma.local [hbm:s3], $0xF7A  }
0x26: {  	[smem:$0x3F93] =	sst s1;
	(tag) =	ssettag s2;
	_ =	strace s9  }
0x27: {  	s1 =	sld [smem:$0x3FA3]  }
0x28: {  	s2 =	sld [smem:$0x3FA4]  }
0x29: {  	s4 =	sld [smem:$0x3FA6]  }
0x2a: {  	p0 =	seq.s32 s5, $0x0;
	s5 =	sld [smem:$0x3FA7]  }
0x2b: {  	s6 =	sld [smem:$0x3FA8]  }
0x2c: {  	s7 =	sld [smem:$0x3FA9]  }
0x2d: {  	s3 =	simm.s32 $0x108;
	s8 =	sld [smem:$0x3FAA]  }
0x2e: {  	s3 =	simm.s32 @!p0 $0x1082;
	s9 =	sld [smem:$0x3FAB]  }
0x2f: {  	lr =	sadd.s32 s0, s3;
	s0 =	sld [smem:$0x3FA2]  }
0x30: {  	s3 =	sld [smem:$0x3FA5]  }
0x31: {  	[smem:$0x3FAE] =	sst s10  }
0x32: {  	s10 =	sld [smem:$0x3FAC];
	_ =	sdelay $0x3  }
0x33: {  	p0 =	seq.s32 s10, $0x1;
	s10 =	sld [smem:$0x3FAE];
	_ =	sdelay $0x3  }
0x34: {  	[smem:$0x3FAE] =	sst s10  }
0x35: {  	s10 =	sld [smem:$0x3FAD];
	_ =	sdelay $0x3  }
0x36: {  	p1 =	seq.s32 s10, $0x1;
	s10 =	sld [smem:$0x3FAE];
	_ =	sdelay $0x3  }
0x37: {  	[smem:$0x3FAE] =	sst s10  }
0x38: {  	s10 =	sld [smem:$0x3FAF]  }
0x39: {  	_ = 	snop;
	(pc) =	sbr.ind lr, $3  }
0x3a: {  	_ = 	snop  }
0x3b: {  	_ = 	snop  }
0x3c: {  	p2 =	seq.s32 s10, $0x1;
	s10 =	sld [smem:$0x3FAE]  }
0x3d: {  	_ =	shalt  }
0x3e: {  	_ =	shalt  }
0x3f: {  	_ =	shalt  }
0x40: {  	_ =	shalt  }
0x41: {  	_ =	shalt  }
0x42: {  	_ =	shalt  }
0x43: {  	_ =	shalt  }
0x44: {  	_ =	shalt  }
0x45: {  	_ =	shalt  }
0x46: {  	_ =	shalt  }
0x47: {  	_ =	shalt  }
0x48: {  	_ =	shalt  }
0x49: {  	_ =	shalt  }
0x4a: {  	_ =	shalt  }
0x4b: {  	_ =	shalt  }
0x4c: {  	_ =	shalt  }
0x4d: {  	_ =	shalt  }
0x4e: {  	_ =	shalt  }
0x4f: {  	_ =	shalt  }
0x50: {  	_ =	shalt  }
0x51: {  	_ =	shalt  }
0x52: {  	_ =	shalt  }
0x53: {  	_ =	shalt  }
0x54: {  	_ =	shalt  }
0x55: {  	_ =	shalt  }
0x56: {  	_ =	shalt  }
0x57: {  	_ =	shalt  }
0x58: {  	_ =	shalt  }
0x59: {  	_ =	shalt  }
0x5a: {  	_ =	shalt  }
0x5b: {  	_ =	shalt  }
0x5c: {  	_ =	shalt  }
0x5d: {  	_ =	shalt  }
0x5e: {  	_ =	shalt  }
0x5f: {  	_ =	shalt  }
0x60: {  	_ =	shalt  }
0x61: {  	_ =	shalt  }
0x62: {  	_ =	shalt  }
0x63: {  	_ =	shalt  }
0x64: {  	_ =	shalt  }
0x65: {  	_ =	shalt  }
0x66: {  	_ =	shalt  }
0x67: {  	_ =	shalt  }
0x68: {  	_ =	shalt  }
0x69: {  	_ =	shalt  }
0x6a: {  	_ =	shalt  }
0x6b: {  	_ =	shalt  }
0x6c: {  	_ =	shalt  }
0x6d: {  	_ =	shalt  }
0x6e: {  	_ =	shalt  }
0x6f: {  	_ =	shalt  }
0x70: {  	_ =	shalt  }
0x71: {  	_ =	shalt  }
0x72: {  	_ =	shalt  }
0x73: {  	_ =	shalt  }
0x74: {  	_ =	shalt  }
0x75: {  	_ =	shalt  }
0x76: {  	_ =	shalt  }
0x77: {  	_ =	shalt  }
0x78: {  	_ =	shalt  }
0x79: {  	_ =	shalt  }
0x7a: {  	_ =	shalt  }
0x7b: {  	_ =	shalt  }
0x7c: {  	_ =	shalt  }
0x7d: {  	_ =	shalt  }
0x7e: {  	_ =	shalt  }
0x7f: {  	_ =	shalt  }
0x80: {  	_ =	shalt  }
0x81: {  	_ =	shalt  }
0x82: {  	_ =	shalt  }
0x83: {  	_ =	shalt  }
0x84: {  	_ =	shalt  }
0x85: {  	_ =	shalt  }
0x86: {  	_ =	shalt  }
0x87: {  	_ =	shalt  }
.Lfunc_end0:
.L_simem_size_0:
called_computation.1_lowered:
.L_overlay_start_0:
0x88: {  	s2 =	sld [smem:$0x3FD9]  }
0x89: {  	s3 =	sld [smem:$0x3FFE];
	_ =	sdelay $0x1  }
0x8a: {  	s1 =	srdreg.scid  }
0x8b: {  	s0 =	sand.u32 $0x1, s1  }
0x8c: {  	s14 =	sshll.u32 s0, $0xA;
	s2 =	sadd.s32 s3, s2  }
0x8d: {  	s2 =	sadd.s32 s2, s14  }
0x8e: {  	[smem:$0x3FBA] =	sst s2  }
0x8f: {  	_ = 	snop  }
0x90: {  	s2 =	sld [smem:$0x3FD0];
	_ =	sdelay $0x2  }
0x91: {  	s15 =	simm.s32 $0xA;
	s4 =	simm.s32 $0x10  }
0x92: {  	[smem:s4], [sflag:s15] =	dma.local [hbm:s2], $0x1  }
0x93: {  	_ =	swait.eq [sflag:s15], $0x1  }
0x94: {  	[sflag:s15] =	ssyncset.done $0x0  }
0x95: {  	[sflag:s15] =	ssyncadd.s32 $0xFFFFFFFF  }
0x96: {  	s16 =	sld [smem:$0x10];
	(tm) =	ssettm $0x1  }
0x97: {  	s17 =	sld [smem:$0x3FFB];
	_ =	sdelay $0x3  }
0x98: {  	_ =	strace s17  }
0x99: {  	s3 =	sld [smem:$0x3FFC];
	_ =	sdelay $0x3  }
0x9a: {  	_ =	strace s3  }
0x9b: {  	s3 =	sld [smem:$0x3FFD];
	_ =	sdelay $0x3  }
0x9c: {  	_ =	strace s3  }
0x9d: {  	_ =	strace $0x8FFFFFFF  }
0x9e: {  	s18 =	sld [smem:$0x3FDB];
	_ =	sdelay $0x1  }
0x9f: {  	s19 =	simm.s32 $_scs_section_size  }
0xa0: {  	s5 =	simm.s32 $_size__tile_overlayer_lowered;
	s6 =	simm.s32 $_tile_overlayer_lowered  }
0xa1: {  	s22 =	simm.s32 $0x1BFF;
	s21 =	sshll.u32 s6, $0x1;
	s3 =	sadd.s32 s19, s18  }
0xa2: {  	s7 =	simm.s32 $0x0;
	s20 =	sshll.u32 s5, $0x1;
	s5 =	sadd.s32 s21, s3  }
0xa3: {  	[timem:s7], [sflag:s22] =	dma.local [hbm:s5], s20  }
0xa4: {  	_ =	swait.ge [sflag:s22], s20  }
0xa5: {  	s4 =	ssub.s32 $0x0, s20;
	[sflag:s22] =	ssyncset.done $0x0  }
0xa6: {  	[sflag:s22] =	ssyncadd.s32 s4;
	_ =	sdelay $0x1  }
0xa7: {  	s23 =	simm.s32 $0x1B8B  }
0xa8: {  	_ =	swait.ge [sflag:s23], $0x1  }
0xa9: {  	[sflag:s23] =	ssyncset.done $0x0  }
0xaa: {  	s25 =	simm.s32 $0x1B8E;
	s24 =	sld [smem:$0x3FFE];
	[sflag:s23] =	ssyncadd.s32 $0xFFFFFFFF  }
0xab: {  	s26 =	simm.s32 $execute0_lowered;
	[smem:$0x3FD2] =	sst s25  }
0xac: {  	s5 =	sshll.u32 s26, $0x1;
	_ =	strace $0x80000049;
	[dreg:$0x1] =	wrdreg $0xFFFFFFFF  }
0xad: {  	s28 =	simm.s32 $_size_execute0_lowered;
	s3 =	sadd.s32 s3, s5;
	[dreg:$0x0] =	wrdreg $0x0  }
0xae: {  	s5 =	sshll.u32 s28, $0x1;
	[dreg:$0x2] =	wrdreg s3  }
0xaf: {  	[dreg:$0x3] =	wrdreg s5  }
0xb0: {  	[dreg:$0x4] =	wrdreg $0xC0  }
0xb1: {  	_ =	task [dreg:s7], $0x5FFFF  }
0xb2: {  	[dreg:$0x1] =	wrdreg $0xFFFFFFFF  }
0xb3: {  	[dreg:$0x0] =	wrdreg $0x60  }
0xb4: {  	[dreg:$0x2] =	wrdreg s16  }
0xb5: {  	[dreg:$0x3] =	wrdreg s24  }
0xb6: {  	[dreg:$0x4] =	wrdreg $0x9  }
0xb7: {  	_ =	task.clear_ibuf [dreg:s7], $0x5FFFF;
	_ =	strace $0x90000049  }
0xb8: {  	s29 =	simm.s32 $0x9;
	_ =	strace $0x8000004B  }
0xb9: {  	_ =	swait.ge [sflag:s29], $0x1  }
0xba: {  	[sflag:s29] =	ssyncadd.s32 $0xFFFFFFFF  }
0xbb: {  	_ =	strace $0x9000004B  }
0xbc: {  	_ =	sfence  }
0xbd: {  	s30 =	sld [smem:$0x0];
	_ =	sdelay $0x2  }
0xbe: {  	s31 =	sshll.u32 s1, $0xD;
	s1 =	sshrl.u32 s1, $0x2  }
0xbf: {  	s3 =	sand.u32 $0x4000, s31;
	s1 =	sadd.s32 s1, s30  }
0xc0: {  	s0 =	sor.u32 s3, s0;
	s1 =	sshll.u32 s1, $0x11  }
0xc1: {  	s0 =	sor.u32 s1, s0  }
0xc2: {  	s0 =	sadd.s32 $0x8F2B, s0  }
0xc3: {  	[sflag:s0] =	ssyncadd.remote.s32 $0x1  }
0xc4: {  	_ =	sfence.sel $0xFFFF  }
0xc5: {  	[dreg:$0x0] =	wrdreg $0xFFFFFFFF;
	(pc) =	sbr.abs _section_cstart, $3  }
0xc6: {  	[dreg:$0x1] =	wrdreg $0xFFFFFFFF  }
0xc7: {  	_ =	task.clear_ibuf [dreg:s7], $0x2FFFF;
	_ =	strace $0x9FFFFFFF  }
0xc8: {  	(tm) =	ssettm $0x7FFFFFFF  }
0xc9: {  	_ =	shalt  }
tec
execute0_lowered:
.L_overlay_start_1:
0x0: {  	(tag) =	ssettag $0x1  }
0x1: {  	s1 =	srdreg.scid  }
0x2: {  	s0 =	stileid.u32;
	s2 =	rddreg [dreg:$0x0]  }
0x3: {  	s5 =	rddreg [dreg:$0x1];
	s3 =	simm.s32 $0x0;
	s10 =	simm.s32 $0x1300  }
0x4: {  	s11 =	simm.s32 $0x1680;
	s4 =	sand.u32 $0x1, s1;
	s30 =	sshll.u32 s0, $0x1  }
0x5: {  	s12 =	simm.s32 $0x2F00;
	s13 =	simm.s32 $0x4780;
	s6 =	sor.u32 s4, s30  }
0x6: {  	s14 =	simm.s32 $0x0;
	[smem:$0x7FF] =	sst s3;
	s6 =	smul.u32 $0x310, s6  }
0x7: {  	s1 =	rddreg [dreg:$0x2];
	s7 =	ssub.s32 $0x2, s4;
	_ =	strace $0x8000004A  }
0x8: {  	s4 =	sadd.s32 $0x1A00, s5;
	s31 =	sshrl.u32 s7, $0x1;
	s8 =	sadd.s32 s6, s5  }
0x9: {  	s9 =	ssub.s32 s7, s31;
	s5 =	sadd.s32 $0xFA800, s8;
	s6 =	sadd.s32 $0x100A00, s8  }
0xa: {  	s7 =	sadd.s32 $0x1C00, s8;
	s8 =	smax.u32 s9, $0x1;
	s9 =	simm.s32 $0x1  }
.LBB2_1:
0xb: {  	[tilespmem:s3], [sflag:$0x1] =	stream.linear.gather [hbm4b:s2+s3], $0x1300, $0x38;
	[tilespmem:$0x6000] =	vst v63  }
0xc: {  	_ =	swait.ge [sflag:s9], $0x1300  }
0xd: {  	[sflag:s9] =	ssyncset.done $0x0  }
0xe: {  	[sflag:s9] =	ssyncadd.s32 $0xFFFFED00  }
0xf: {  	[tilespmem:s10], [sflag:$0x1] =	stream.linear.gather [hbm4b:s4+s3], $0x380, $0x38;
	[tilespmem:$0x6000] =	vst v63  }
0x10: {  	_ =	swait.ge [sflag:s9], $0x380  }
0x11: {  	[sflag:s9] =	ssyncset.done $0x0  }
0x12: {  	[sflag:s9] =	ssyncadd.s32 $0xFFFFFC80  }
0x13: {  	[tilespmem:s11], [sflag:$0x1] =	stream.linear.gather [hbm4b:s5+s3], $0x1880, $0x38;
	[tilespmem:$0x6000] =	vst v63  }
0x14: {  	_ =	swait.ge [sflag:s9], $0x1880  }
0x15: {  	[sflag:s9] =	ssyncset.done $0x0  }
0x16: {  	[sflag:s9] =	ssyncadd.s32 $0xFFFFE780  }
0x17: {  	[tilespmem:s12], [sflag:$0x1] =	stream.linear.gather [hbm4b:s6+s3], $0x1880, $0x38;
	[tilespmem:$0x6000] =	vst v63  }
0x18: {  	_ =	swait.ge [sflag:s9], $0x1880  }
0x19: {  	[sflag:s9] =	ssyncset.done $0x0  }
0x1a: {  	s15 =	simm.s32 $0x0;
	[sflag:s9] =	ssyncadd.s32 $0xFFFFE780  }
0x1b: {  	v0 =	vld [tilespmem:s15+$0x2F00]  }
0x1c: {  	v1 =	vld [tilespmem:s15+$0x1680];
	_ =	sdelay $0x6  }
0x1d: {  	v0 =	vld.idx.msk [tilespmem:v0+s10+$0x0], $0xffff  }
0x1e: {  	s16 =	simm.s32 $0x10;
	v2 =	vld.idx.msk [tilespmem:v1+s3+$0x0], $0xffff  }
0x1f: {  	s17 =	simm.s32 $0x80;
	v1 =	vld [tilespmem:s16+$0x2F00]  }
.LBB2_2:
0x20: {  	p0 =	sne.s32 s17, $0x61C0;
	v3 =	vld [tilespmem:s16+$0x1680];
	_ =	sdelay $0x3  }
0x21: {  	v0 =	vadd.f32 v0, v2  }
.Ltmp0:
0x22: {  	(pc) =	sbr.rel @p0 .LBB2_2-.Ltmp0, $4  }
0x23: {  	[tilespmem:s15+$0x4780] =	vst v0;
	s15 =	smov.u32 s16  }
0x24: {  	v0 =	vld.idx.msk [tilespmem:v1+s10+$0x0], $0xffff  }
0x25: {  	s16 =	sshra.s32 s17, $0x2;
	v2 =	vld.idx.msk [tilespmem:v3+s3+$0x0], $0xffff  }
0x26: {  	s17 =	sadd.s32 $0x40, s17;
	v1 =	vld [tilespmem:s16+$0x2F00]  }
0x27: {  	_ = 	snop  }
0x28: {  	v3 =	vld [tilespmem:s16+$0x1680];
	_ =	sdelay $0x3  }
0x29: {  	v0 =	vadd.f32 v0, v2;
	_ =	sdelay $0x1  }
0x2a: {  	[tilespmem:s15+$0x4780] =	vst v0  }
0x2b: {  	v0 =	vld.idx.msk [tilespmem:v1+s10+$0x0], $0xffff  }
0x2c: {  	v63 =	vld.idx.msk [tilespmem:v3+s3+$0x0], $0xffff;
	_ =	sdelay $0x4  }
0x2d: {  	s14 =	sadd.s32 $0x1, s14;
	v0 =	vadd.f32 v0, v63  }
0x2e: {  	p0 =	sne.s32 s14, s8  }
.Ltmp1:
0x2f: {  	[tilespmem:s16+$0x4780] =	vst v0;
	(pc) =	sbr.rel @p0 .LBB2_1-.Ltmp1, $4  }
0x30: {  	[hbm4b:s7+s3] =	stream.linear.scatter [tilespmem:s13], [sflag:$0x1], $0x1880, $0x38;
	[tilespmem:$0x6000] =	vst v63  }
0x31: {  	_ =	swait.ge [sflag:s9], $0x1880  }
0x32: {  	[sflag:s9] =	ssyncset.done $0x0  }
0x33: {  	[sflag:s9] =	ssyncadd.s32 $0xFFFFE780  }
0x34: {  	_ =	sfence.sel $0x180000  }
0x35: {  	[bflag:$0x0] =	sbarrier.arrive $0xFFFF  }
0x36: {  	p0 =	sne.s32 s0, $0x0;
	_ =	strace $0x9000004A  }
0x37: {  	s0 =	sadd.s32 @!p0 $0x100000, s1;
	[bflag:$0x2] =	sbarrier.arrive $0xFFFF  }
0x38: {  	[sflag:s0] =	ssyncadd.tile.s32 @!p0 $0x1;
	_ =	shalt  }
.Lfunc_end2:
_tile_overlayer_lowered:
.L_overlay_start_2:
0x39: {  	(tag) =	ssettag $0x2  }
0x3a: {  	s0 =	rddreg [dreg:$0x0];
	s2 =	stileid.u32  }
0x3b: {  	s1 =	rddreg [dreg:$0x1];
	p0 =	sne.s32 s2, $0x0  }
0x3c: {  	s3 =	rddreg [dreg:$0x2];
	[bflag:$0x3] =	sbarrier.arrive $0xFFFF;
	s2 =	simm.s32 @!p0 $0x1C01  }
0x3d: {  	[timem:s3], [sflag:s2] =	dma.local @!p0 [hbm:s0], s1  }
0x3e: {  	s0 =	simm.s32 @!p0 $0x1  }
0x3f: {  	_ =	swait.ge @!p0 [sflag:s0], s1  }
0x40: {  	s1 =	ssub.s32 @!p0 $0x0, s1;
	[sflag:s0] =	ssyncset.done @!p0 $0x0  }
0x41: {  	[sflag:s0] =	ssyncadd.s32 @!p0 s1  }
0x42: {  	[bflag:$0x3] =	sbarrier.arrive $0xFFFF  }
0x43: {  	_ =	shalt  }

</sc_bundles>
